<compile_context>
chip_gen: v7x
topology: tpu7x:2x2x1
jax: 0.10.2.dev20260603
libtpu: 0.0.44.dev20260713+nightly
codegen_flags: <defaults>
</compile_context>

<pallas_src>
import functools

import jax
import jax.numpy as jnp
from jax import lax
from jax.experimental import pallas as pl
from jax.experimental.pallas import tpu as pltpu
from jax.experimental.pallas import tpu_sc as plsc

NW = 32
K_EDGE = 80
LANES = 16


def _mesh():
    return plsc.VectorSubcoreMesh(core_axis_name="c", subcore_axis_name="s")


def _deg_body(ew, dst_hbm, out_hbm, deg_v, idx_v):
    c = lax.axis_index("c")
    s = lax.axis_index("s")
    wid = c * 16 + s
    nchunks = ew // K_EDGE

    npad = deg_v.shape[0]
    zero16 = jnp.zeros((LANES,), jnp.float32)
    def zstep(i, _):
        deg_v[pl.ds(i * LANES, LANES)] = zero16
        return 0
    lax.fori_loop(0, npad // LANES, zstep, 0)

    ones16 = jnp.ones((LANES,), jnp.float32)
    base_w = wid * ew

    def step(g, _):
        pltpu.sync_copy(dst_hbm.at[pl.ds(base_w + g * K_EDGE, K_EDGE)], idx_v)
        def inner(j, _):
            idx = idx_v[pl.ds(j * LANES, LANES)]
            plsc.addupdate_scatter(deg_v, [idx], ones16)
            return 0
        lax.fori_loop(0, K_EDGE // LANES, inner, 0)
        return 0

    lax.fori_loop(0, nchunks, step, 0)
    pltpu.sync_copy(deg_v, out_hbm.at[wid])


def _deg_partials(dst, npad):
    ew = dst.shape[0] // NW
    kern = pl.kernel(
        functools.partial(_deg_body, ew),
        out_type=jax.ShapeDtypeStruct((NW, npad), jnp.float32),
        mesh=_mesh(),
        scratch_types=[
            pltpu.VMEM((npad,), jnp.float32),
            pltpu.VMEM((K_EDGE,), jnp.int32),
        ],
        compiler_params=pltpu.CompilerParams(needs_layout_passes=False),
    )
    return kern(dst)


def _agg_body(ew, d, npad, src_hbm, dst_hbm, hp_hbm, out_hbm,
              acc_sh, sidx_v, didx_v, rows_v, sem):
    c = lax.axis_index("c")
    s = lax.axis_index("s")
    wid = c * 16 + s
    nchunks = ew // K_EDGE
    rows_per_sub = npad // 16

    zero16 = jnp.zeros((LANES,), jnp.float32)
    def zstep(i, _):
        r = i // (d // LANES)
        col = i % (d // LANES)
        rows_v[r, pl.ds(col * LANES, LANES)] = zero16
        return 0
    lax.fori_loop(0, K_EDGE * d // LANES, zstep, 0)

    def zacc(i, _):
        pltpu.sync_copy(rows_v, acc_sh.at[pl.ds(s * rows_per_sub + i * K_EDGE,
                                                K_EDGE)])
        return 0
    lax.fori_loop(0, rows_per_sub // K_EDGE, zacc, 0)
    plsc.subcore_barrier()

    base_w = wid * ew

    def step(g, _):
        base = base_w + g * K_EDGE
        pltpu.sync_copy(src_hbm.at[pl.ds(base, K_EDGE)], sidx_v)
        pltpu.sync_copy(dst_hbm.at[pl.ds(base, K_EDGE)], didx_v)
        pltpu.async_copy(hp_hbm.at[sidx_v], rows_v, sem).wait()
        pltpu.sync_copy(rows_v, acc_sh.at[didx_v], add=True)
        return 0

    lax.fori_loop(0, nchunks, step, 0)
    plsc.subcore_barrier()

    pltpu.sync_copy(acc_sh.at[pl.ds(s * rows_per_sub, rows_per_sub)],
                    out_hbm.at[c, pl.ds(s * rows_per_sub, rows_per_sub)])


def _aggregate(src, dst, hp, npad):
    ew = src.shape[0] // NW
    d = hp.shape[1]
    kern = pl.kernel(
        functools.partial(_agg_body, ew, d, npad),
        out_type=jax.ShapeDtypeStruct((2, npad, d), jnp.float32),
        mesh=_mesh(),
        scratch_types=[
            pltpu.VMEM_SHARED((npad, d), jnp.float32),
            pltpu.VMEM((K_EDGE,), jnp.int32),
            pltpu.VMEM((K_EDGE,), jnp.int32),
            pltpu.VMEM((K_EDGE, d), jnp.float32),
            pltpu.SemaphoreType.DMA,
        ],
        compiler_params=pltpu.CompilerParams(needs_layout_passes=False),
    )
    return kern(src, dst, hp)


def _tc_a_body(x_b, degt_b, w1_b, hp_b, dis_b):
    deg = jnp.sum(degt_b[...], axis=1, keepdims=True) + 1.0
    dis = lax.rsqrt(deg)
    h = jnp.dot(x_b[...], w1_b[...], preferred_element_type=jnp.float32)
    hp_b[...] = dis * h
    dis_b[...] = dis


def _tc_a(xp, degt, w1, npad, rblk):
    din, dhid = w1.shape
    grid = (npad // rblk,)
    return pl.pallas_call(
        _tc_a_body,
        grid=grid,
        in_specs=[
            pl.BlockSpec((rblk, din), lambda i: (i, 0)),
            pl.BlockSpec((rblk, NW), lambda i: (i, 0)),
            pl.BlockSpec((din, dhid), lambda i: (0, 0)),
        ],
        out_specs=[
            pl.BlockSpec((rblk, dhid), lambda i: (i, 0)),
            pl.BlockSpec((rblk, 1), lambda i: (i, 0)),
        ],
        out_shape=[
            jax.ShapeDtypeStruct((npad, dhid), jnp.float32),
            jax.ShapeDtypeStruct((npad, 1), jnp.float32),
        ],
    )(xp, degt, w1)


def _tc_b_body(p_b, hp1_b, dis_b, b1_b, w2_b, hp2_b):
    agg = p_b[0] + p_b[1] + hp1_b[...]
    z = jnp.maximum(dis_b[...] * agg + b1_b[...], 0.0)
    h2 = jnp.dot(z, w2_b[...], preferred_element_type=jnp.float32)
    hp2_b[...] = dis_b[...] * h2


def _tc_b(p1, hp1, dis, b1, w2, npad, rblk):
    dhid, dout = w2.shape
    grid = (npad // rblk,)
    return pl.pallas_call(
        _tc_b_body,
        grid=grid,
        in_specs=[
            pl.BlockSpec((2, rblk, dhid), lambda i: (0, i, 0)),
            pl.BlockSpec((rblk, dhid), lambda i: (i, 0)),
            pl.BlockSpec((rblk, 1), lambda i: (i, 0)),
            pl.BlockSpec((1, dhid), lambda i: (0, 0)),
            pl.BlockSpec((dhid, dout), lambda i: (0, 0)),
        ],
        out_specs=pl.BlockSpec((rblk, dout), lambda i: (i, 0)),
        out_shape=jax.ShapeDtypeStruct((npad, dout), jnp.float32),
    )(p1, hp1, dis, b1, w2)


def _tc_c_body(q_b, hp2_b, dis_b, b2_b, out_b):
    agg = q_b[0] + q_b[1] + hp2_b[...]
    out_b[...] = dis_b[...] * agg + b2_b[...]


def _tc_c(q, hp2, dis, b2, npad, rblk):
    dout = hp2.shape[1]
    grid = (npad // rblk,)
    return pl.pallas_call(
        _tc_c_body,
        grid=grid,
        in_specs=[
            pl.BlockSpec((2, rblk, dout), lambda i: (0, i, 0)),
            pl.BlockSpec((rblk, dout), lambda i: (i, 0)),
            pl.BlockSpec((rblk, 1), lambda i: (i, 0)),
            pl.BlockSpec((1, dout), lambda i: (0, 0)),
        ],
        out_specs=pl.BlockSpec((rblk, dout), lambda i: (i, 0)),
        out_shape=jax.ShapeDtypeStruct((npad, dout), jnp.float32),
    )(q, hp2, dis, b2)


def kernel(x, edge_index, W1, b1, W2, b2):
    n, din = x.shape
    e = edge_index.shape[1]
    rblk = 256
    npad = ((n + 1) + 2560 - 1) // 2560 * 2560

    src = edge_index[0].astype(jnp.int32)
    dst = edge_index[1].astype(jnp.int32)
    echunk = NW * K_EDGE
    ep = (e + echunk - 1) // echunk * echunk
    if ep != e:
        src = jnp.pad(src, (0, ep - e), constant_values=n)
        dst = jnp.pad(dst, (0, ep - e), constant_values=n)

    xp = jnp.pad(x, ((0, npad - n), (0, 0)))
    dout = W2.shape[1]
    dpad = ((dout + 127) // 128) * 128
    w2p = jnp.pad(W2, ((0, 0), (0, dpad - dout)))
    b1r = b1.reshape(1, -1)
    b2r = jnp.pad(b2, (0, dpad - dout)).reshape(1, -1)

    degp = _deg_partials(dst, npad)
    degt = degp.T
    hp1, dis = _tc_a(xp, degt, W1, npad, rblk)
    p1 = _aggregate(src, dst, hp1, npad)
    hp2 = _tc_b(p1, hp1, dis, b1r, w2p, npad, rblk)
    q = _aggregate(src, dst, hp2, npad)
    outp = _tc_c(q, hp2, dis, b2r, npad, rblk)
    return outp[:n, :dout]

# --- scband reference (transcript-rebuilt; emitter-appended) ---
"""Pipeline reference for scband-gcn-2972117368897 (READ-ONLY COPY).

The authoritative reference and input builder live on the scoring server;
editing this copy changes nothing except your own understanding.
"""

import jax, jax.numpy as jnp
import numpy as np

N_NODES = 10000
D_IN = 128
D_HID = 128
D_OUT = 64
N_EDGES = 320000


def gcn_conv(x, edge_index, W, b):
    N = x.shape[0]
    src = edge_index[0]
    dst = edge_index[1]
    # add self-loops
    loop = jnp.arange(N, dtype=edge_index.dtype)
    src = jnp.concatenate([src, loop])
    dst = jnp.concatenate([dst, loop])
    # symmetric normalization: deg over dst (counts incoming + self loop)
    deg = jnp.zeros((N,), dtype=x.dtype).at[dst].add(1.0)
    deg_inv_sqrt = jnp.where(deg > 0, 1.0 / jnp.sqrt(deg), 0.0)
    norm = deg_inv_sqrt[src] * deg_inv_sqrt[dst]
    # linear transform first (PyG GCNConv style)
    h = x @ W
    # gather messages from src, scale, scatter-add into dst
    msg = h[src] * norm[:, None]
    out = jnp.zeros((N, h.shape[1]), dtype=h.dtype).at[dst].add(msg)
    return out + b


def setup_inputs(seed: int = 0) -> dict:
    key = jax.random.key(seed)
    k1, k2, k3, k4 = jax.random.split(key, 4)
    x = jax.random.normal(k1, (N_NODES, D_IN), dtype=jnp.float32)
    edge_index = jax.random.randint(k2, (2, N_EDGES), 0, N_NODES, dtype=jnp.int64)
    s1 = 1.0 / np.sqrt(D_IN)
    s2 = 1.0 / np.sqrt(D_HID)
    W1 = jax.random.uniform(k3, (D_IN, D_HID), dtype=jnp.float32, minval=-s1, maxval=s1)
    b1 = jnp.zeros((D_HID,), dtype=jnp.float32)
    W2 = jax.random.uniform(k4, (D_HID, D_OUT), dtype=jnp.float32, minval=-s2, maxval=s2)
    b2 = jnp.zeros((D_OUT,), dtype=jnp.float32)
    return {"x": x, "edge_index": edge_index, "W1": W1, "b1": b1, "W2": W2, "b2": b2}


def reference(x, edge_index, W1, b1, W2, b2):
    h = gcn_conv(x, edge_index, W1, b1)
    h = jax.nn.relu(h)
    # dropout p=0.5 is identity in eval mode (training=False)
    out = gcn_conv(h, edge_index, W2, b2)
    return out

if __name__ == "__main__":
    import jax
    _d = setup_inputs()
    print(jax.jit(kernel)(*tuple(_d.values())))

</pallas_src>

<mosaic_0001>
#map = affine_map<(d0, d1) -> (0)>
#map1 = affine_map<(d0, d1) -> (0, 0)>
#map2 = affine_map<(d0, d1) -> (0, 0, 0)>
module attributes {stable_mosaic.version = 14 : i64} {
  func.func @_agg_body(%arg0: i32, %arg1: i32, %arg2: memref<320000xi32, #tpu.memory_space<hbm>>, %arg3: memref<320000xi32, #tpu.memory_space<hbm>>, %arg4: memref<10240x128xf32, #tpu.memory_space<hbm>>, %arg5: memref<2x10240x128xf32, #tpu.memory_space<hbm>>, %arg6: memref<10240x128xf32, #tpu.memory_space<vmem_shared>>, %arg7: memref<80xi32, #tpu.memory_space<vmem>>, %arg8: memref<80xi32, #tpu.memory_space<vmem>>, %arg9: memref<80x128xf32, #tpu.memory_space<vmem>>, %arg10: memref<!tpu.dma_semaphore, #tpu.memory_space<semaphore_mem>>) attributes {dimension_semantics = [#tpu.dimension_semantics<core_parallel>, #tpu.dimension_semantics<subcore_parallel>], iteration_bounds = array<i64: 2, 16>, scalar_prefetch = 0 : i64, scratch_operands = 5 : i64, tpu.core_type = #tpu.core_type<sc_vector_subcore>, window_params = [{transform_indices = #map}, {transform_indices = #map}, {transform_indices = #map1}, {transform_indices = #map2}]} {
    %mul3A = arith.constant 16 : i32
    %mul3A_0 = arith.muli %arg0, %mul3A : i32
    %add3A = arith.addi %mul3A_0, %arg1 : i32
    %broadcast_in_dim3A = arith.constant 0.000000e+00 : f32
    %broadcast_in_dim3A_1 = vector.broadcast %broadcast_in_dim3A : f32 to vector<16xf32>
    %scan3A = arith.constant 0 : i32
    %scan3A_2 = arith.constant 0 : i32
    %scan3A_3 = arith.constant 640 : i32
    %scan3A_4 = arith.addi %scan3A_2, %scan3A_3 : i32
    %scan3A_5 = arith.constant 1 : i32
    %scan3A_6 = scf.for %scan3A_29 = %scan3A_2 to %scan3A_4 step %scan3A_5 iter_args(%scan3A_30 = %scan3A) -> (i32)  : i32 {
      %jit3A = arith.constant 8 : i32
      %div3A = arith.divsi %scan3A_29, %jit3A : i32
      %sign3A = arith.constant 0 : i32
      %sign3A_31 = arith.cmpi sgt, %scan3A_29, %sign3A : i32
      %sign3A_32 = arith.extui %sign3A_31 : i1 to i32
      %sign3A_33 = arith.constant 0 : i32
      %sign3A_34 = arith.cmpi slt, %scan3A_29, %sign3A_33 : i32
      %sign3A_35 = arith.extui %sign3A_34 : i1 to i32
      %sign3A_36 = arith.subi %sign3A_32, %sign3A_35 : i32
      %sign3A_37 = arith.constant 0 : i32
      %sign3A_38 = arith.cmpi sgt, %jit3A, %sign3A_37 : i32
      %sign3A_39 = arith.extui %sign3A_38 : i1 to i32
      %sign3A_40 = arith.constant 0 : i32
      %sign3A_41 = arith.cmpi slt, %jit3A, %sign3A_40 : i32
      %sign3A_42 = arith.extui %sign3A_41 : i1 to i32
      %sign3A_43 = arith.subi %sign3A_39, %sign3A_42 : i32
      %ne3A = arith.cmpi ne, %sign3A_36, %sign3A_43 : i32
      %rem3A = arith.remsi %scan3A_29, %jit3A : i32
      %ne3A_44 = arith.constant 0 : i32
      %ne3A_45 = arith.cmpi ne, %rem3A, %ne3A_44 : i32
      %and3A = arith.andi %ne3A, %ne3A_45 : i1
      %sub3A = arith.constant 1 : i32
      %sub3A_46 = arith.subi %div3A, %sub3A : i32
      %select_n3A = arith.select %and3A, %sub3A_46, %div3A : i32
      %jit3A_47 = arith.constant 8 : i32
      %eq3A = arith.constant 0 : i32
      %eq3A_48 = arith.cmpi eq, %jit3A_47, %eq3A : i32
      %jit3A_49 = arith.constant 1 : i32
      %select_n3A_50 = arith.select %eq3A_48, %jit3A_49, %jit3A_47 : i32
      %rem3A_51 = arith.remsi %scan3A_29, %select_n3A_50 : i32
      %ne3A_52 = arith.constant 0 : i32
      %ne3A_53 = arith.cmpi ne, %rem3A_51, %ne3A_52 : i32
      %lt3A = arith.constant 0 : i32
      %lt3A_54 = arith.cmpi slt, %rem3A_51, %lt3A : i32
      %lt3A_55 = arith.constant 0 : i32
      %lt3A_56 = arith.cmpi slt, %select_n3A_50, %lt3A_55 : i32
      %ne3A_57 = arith.xori %lt3A_54, %lt3A_56 : i1
      %and3A_58 = arith.andi %ne3A_57, %ne3A_53 : i1
      %add3A_59 = arith.addi %rem3A_51, %select_n3A_50 : i32
      %select_n3A_60 = arith.select %and3A_58, %add3A_59, %rem3A_51 : i32
      %mul3A_61 = arith.constant 16 : i32
      %mul3A_62 = arith.muli %select_n3A_60, %mul3A_61 : i32
      %swap3A = arith.index_cast %select_n3A : i32 to index
      %swap3A_63 = arith.index_cast %mul3A_62 : i32 to index
      %swap3A_64 = tpu.vector_load %arg9[%swap3A, %swap3A_63] {strides = array<i32>} : memref<80x128xf32, #tpu.memory_space<vmem>>, vector<16xf32>,
      tpu.vector_store %arg9[%swap3A, %swap3A_63], %broadcast_in_dim3A_1 {strides = array<i32>} : memref<80x128xf32, #tpu.memory_space<vmem>>, vector<16xf32>,
      %scan3A_65 = arith.constant 0 : i32
      scf.yield %scan3A_65 : i32
    }
    %scan3A_7 = arith.constant 640 : i32
    %scan3A_8 = arith.constant 0 : i32
    %scan3A_9 = arith.constant 0 : i32
    %scan3A_10 = arith.constant 8 : i32
    %scan3A_11 = arith.addi %scan3A_9, %scan3A_10 : i32
    %scan3A_12 = arith.constant 1 : i32
    %scan3A_13 = scf.for %scan3A_29 = %scan3A_9 to %scan3A_11 step %scan3A_12 iter_args(%scan3A_30 = %scan3A_8) -> (i32)  : i32 {
      %mul3A_31 = arith.constant 640 : i32
      %mul3A_32 = arith.muli %arg1, %mul3A_31 : i32
      %mul3A_33 = arith.constant 80 : i32
      %mul3A_34 = arith.muli %scan3A_29, %mul3A_33 : i32
      %add3A_35 = arith.addi %mul3A_32, %mul3A_34 : i32
      "tpu.region"() ({
        %run_scoped3A = tpu.sem_alloc : memref<!tpu.dma_semaphore, #tpu.memory_space<semaphore_mem>>
        %dma_start3A = arith.constant 0 : i32
        %dma_start3A_37 = tpu.memref_slice %arg6[%add3A_35, %dma_start3A] : memref<10240x128xf32, #tpu.memory_space<vmem_shared>> -> memref<80x128xf32, #tpu.memory_space<vmem_shared>>
        %dma_start3A_38 = arith.constant 0 : i32
        %dma_start3A_39 = tpu.memref_slice %arg6[%add3A_35, %dma_start3A_38] : memref<10240x128xf32, #tpu.memory_space<vmem_shared>> -> memref<80x128xf32, #tpu.memory_space<vmem_shared>>
        tpu.enqueue_dma source(%arg9 : memref<80x128xf32, #tpu.memory_space<vmem>>) target(%dma_start3A_39 : memref<80x128xf32, #tpu.memory_space<vmem_shared>>) target_semaphore(%run_scoped3A : memref<!tpu.dma_semaphore, #tpu.memory_space<semaphore_mem>>)
        %dma_wait3A = arith.constant 0 : i32
        %dma_wait3A_40 = tpu.memref_slice %arg6[%add3A_35, %dma_wait3A] : memref<10240x128xf32, #tpu.memory_space<vmem_shared>> -> memref<80x128xf32, #tpu.memory_space<vmem_shared>>
        %dma_wait3A_41 = arith.constant 0 : i32
        %dma_wait3A_42 = tpu.memref_slice %arg6[%add3A_35, %dma_wait3A_41] : memref<10240x128xf32, #tpu.memory_space<vmem_shared>> -> memref<80x128xf32, #tpu.memory_space<vmem_shared>>
        tpu.wait_dma2 semaphore(%run_scoped3A : memref<!tpu.dma_semaphore, #tpu.memory_space<semaphore_mem>>) src(%arg9 : memref<80x128xf32, #tpu.memory_space<vmem>>) dst(%dma_wait3A_42 : memref<80x128xf32, #tpu.memory_space<vmem_shared>>)
        tpu.yield
      }) : () -> ()
      %scan3A_36 = arith.constant 0 : i32
      scf.yield %scan3A_36 : i32
    }
    %scan3A_14 = arith.constant 8 : i32
    %barrier3A = arith.constant 0 : index
    tpu.barrier barrier_id(%barrier3A)
    %mul3A_15 = arith.constant 10000 : i32
    %mul3A_16 = arith.muli %add3A, %mul3A_15 : i32
    %scan3A_17 = arith.constant 0 : i32
    %scan3A_18 = arith.constant 0 : i32
    %scan3A_19 = arith.constant 125 : i32
    %scan3A_20 = arith.addi %scan3A_18, %scan3A_19 : i32
    %scan3A_21 = arith.constant 1 : i32
    %scan3A_22 = scf.for %scan3A_29 = %scan3A_18 to %scan3A_20 step %scan3A_21 iter_args(%scan3A_30 = %scan3A_17) -> (i32)  : i32 {
      %mul3A_31 = arith.constant 80 : i32
      %mul3A_32 = arith.muli %scan3A_29, %mul3A_31 : i32
      %add3A_33 = arith.addi %mul3A_16, %mul3A_32 : i32
      "tpu.region"() ({
        %run_scoped3A = tpu.sem_alloc : memref<!tpu.dma_semaphore, #tpu.memory_space<semaphore_mem>>
        %dma_start3A_39 = tpu.memref_slice %arg2[%add3A_33] : memref<320000xi32, #tpu.memory_space<hbm>> -> memref<80xi32, #tpu.memory_space<hbm>>
        %dma_start3A_40 = tpu.memref_slice %arg2[%add3A_33] : memref<320000xi32, #tpu.memory_space<hbm>> -> memref<80xi32, #tpu.memory_space<hbm>>
        tpu.enqueue_dma source(%dma_start3A_40 : memref<80xi32, #tpu.memory_space<hbm>>) target(%arg7 : memref<80xi32, #tpu.memory_space<vmem>>) target_semaphore(%run_scoped3A : memref<!tpu.dma_semaphore, #tpu.memory_space<semaphore_mem>>)
        %dma_wait3A_41 = tpu.memref_slice %arg2[%add3A_33] : memref<320000xi32, #tpu.memory_space<hbm>> -> memref<80xi32, #tpu.memory_space<hbm>>
        %dma_wait3A_42 = tpu.memref_slice %arg2[%add3A_33] : memref<320000xi32, #tpu.memory_space<hbm>> -> memref<80xi32, #tpu.memory_space<hbm>>
        tpu.wait_dma2 semaphore(%run_scoped3A : memref<!tpu.dma_semaphore, #tpu.memory_space<semaphore_mem>>) src(%dma_wait3A_42 : memref<80xi32, #tpu.memory_space<hbm>>) dst(%arg7 : memref<80xi32, #tpu.memory_space<vmem>>)
        tpu.yield
      }) : () -> ()
      "tpu.region"() ({
        %run_scoped3A = tpu.sem_alloc : memref<!tpu.dma_semaphore, #tpu.memory_space<semaphore_mem>>
        %dma_start3A_39 = tpu.memref_slice %arg3[%add3A_33] : memref<320000xi32, #tpu.memory_space<hbm>> -> memref<80xi32, #tpu.memory_space<hbm>>
        %dma_start3A_40 = tpu.memref_slice %arg3[%add3A_33] : memref<320000xi32, #tpu.memory_space<hbm>> -> memref<80xi32, #tpu.memory_space<hbm>>
        tpu.enqueue_dma source(%dma_start3A_40 : memref<80xi32, #tpu.memory_space<hbm>>) target(%arg8 : memref<80xi32, #tpu.memory_space<vmem>>) target_semaphore(%run_scoped3A : memref<!tpu.dma_semaphore, #tpu.memory_space<semaphore_mem>>)
        %dma_wait3A_41 = tpu.memref_slice %arg3[%add3A_33] : memref<320000xi32, #tpu.memory_space<hbm>> -> memref<80xi32, #tpu.memory_space<hbm>>
        %dma_wait3A_42 = tpu.memref_slice %arg3[%add3A_33] : memref<320000xi32, #tpu.memory_space<hbm>> -> memref<80xi32, #tpu.memory_space<hbm>>
        tpu.wait_dma2 semaphore(%run_scoped3A : memref<!tpu.dma_semaphore, #tpu.memory_space<semaphore_mem>>) src(%dma_wait3A_42 : memref<80xi32, #tpu.memory_space<hbm>>) dst(%arg8 : memref<80xi32, #tpu.memory_space<vmem>>)
        tpu.yield
      }) : () -> ()
      %dma_start3A = arith.constant 0 : i32
      %dma_start3A_34 = arith.constant 0 : i32
      %dma_start3A_35 = tpu.memref_slice %arg4[%dma_start3A, %dma_start3A_34] : memref<10240x128xf32, #tpu.memory_space<hbm>> -> memref<10240x128xf32, #tpu.memory_space<hbm>>
      tpu.enqueue_indirect_dma source(%dma_start3A_35 : memref<10240x128xf32, #tpu.memory_space<hbm>>) target(%arg9 : memref<80x128xf32, #tpu.memory_space<vmem>>) offsets(%arg7 : memref<80xi32, #tpu.memory_space<vmem>>) semaphore(%arg10 : memref<!tpu.dma_semaphore, #tpu.memory_space<semaphore_mem>>)
      %dma_wait3A = arith.constant 0 : i32
      %dma_wait3A_36 = arith.constant 0 : i32
      %dma_wait3A_37 = tpu.memref_slice %arg4[%dma_wait3A, %dma_wait3A_36] : memref<10240x128xf32, #tpu.memory_space<hbm>> -> memref<10240x128xf32, #tpu.memory_space<hbm>>
      tpu.wait_indirect_dma semaphore(%arg10 : memref<!tpu.dma_semaphore, #tpu.memory_space<semaphore_mem>>) src(%dma_wait3A_37 : memref<10240x128xf32, #tpu.memory_space<hbm>>) dst(%arg9 : memref<80x128xf32, #tpu.memory_space<vmem>>)
      "tpu.region"() ({
        %run_scoped3A = tpu.sem_alloc : memref<!tpu.dma_semaphore, #tpu.memory_space<semaphore_mem>>
        %dma_start3A_39 = arith.constant 0 : i32
        %dma_start3A_40 = arith.constant 0 : i32
        %dma_start3A_41 = tpu.memref_slice %arg6[%dma_start3A_39, %dma_start3A_40] : memref<10240x128xf32, #tpu.memory_space<vmem_shared>> -> memref<10240x128xf32, #tpu.memory_space<vmem_shared>>
        tpu.enqueue_indirect_dma source(%arg9 : memref<80x128xf32, #tpu.memory_space<vmem>>) target(%dma_start3A_41 : memref<10240x128xf32, #tpu.memory_space<vmem_shared>>) offsets(%arg8 : memref<80xi32, #tpu.memory_space<vmem>>) semaphore(%run_scoped3A : memref<!tpu.dma_semaphore, #tpu.memory_space<semaphore_mem>>) {add = true}
        %dma_wait3A_42 = arith.constant 0 : i32
        %dma_wait3A_43 = arith.constant 0 : i32
        %dma_wait3A_44 = tpu.memref_slice %arg6[%dma_wait3A_42, %dma_wait3A_43] : memref<10240x128xf32, #tpu.memory_space<vmem_shared>> -> memref<10240x128xf32, #tpu.memory_space<vmem_shared>>
        tpu.wait_indirect_dma semaphore(%run_scoped3A : memref<!tpu.dma_semaphore, #tpu.memory_space<semaphore_mem>>) src(%arg9 : memref<80x128xf32, #tpu.memory_space<vmem>>) dst(%dma_wait3A_44 : memref<10240x128xf32, #tpu.memory_space<vmem_shared>>)
        tpu.yield
      }) : () -> ()
      %scan3A_38 = arith.constant 0 : i32
      scf.yield %scan3A_38 : i32
    }
    %scan3A_23 = arith.constant 125 : i32
    %barrier3A_24 = arith.constant 0 : index
    tpu.barrier barrier_id(%barrier3A_24)
    %mul3A_25 = arith.constant 640 : i32
    %mul3A_26 = arith.muli %arg1, %mul3A_25 : i32
    %mul3A_27 = arith.constant 640 : i32
    %mul3A_28 = arith.muli %arg1, %mul3A_27 : i32
    "tpu.region"() ({
      %run_scoped3A = tpu.sem_alloc : memref<!tpu.dma_semaphore, #tpu.memory_space<semaphore_mem>>
      %dma_start3A = arith.constant 0 : i32
      %dma_start3A_29 = tpu.memref_slice %arg5[%arg0, %mul3A_28, %dma_start3A] : memref<2x10240x128xf32, #tpu.memory_space<hbm>> -> memref<1x640x128xf32, #tpu.memory_space<hbm>>
      %dma_start3A_30 = tpu.memref_squeeze %dma_start3A_29 : memref<1x640x128xf32, #tpu.memory_space<hbm>> -> memref<640x128xf32, #tpu.memory_space<hbm>>
      %dma_start3A_31 = arith.constant 0 : i32
      %dma_start3A_32 = tpu.memref_slice %arg6[%mul3A_26, %dma_start3A_31] : memref<10240x128xf32, #tpu.memory_space<vmem_shared>> -> memref<640x128xf32, #tpu.memory_space<vmem_shared>>
      tpu.enqueue_dma source(%dma_start3A_32 : memref<640x128xf32, #tpu.memory_space<vmem_shared>>) target(%dma_start3A_30 : memref<640x128xf32, #tpu.memory_space<hbm>>) target_semaphore(%run_scoped3A : memref<!tpu.dma_semaphore, #tpu.memory_space<semaphore_mem>>)
      %dma_wait3A = arith.constant 0 : i32
      %dma_wait3A_33 = tpu.memref_slice %arg5[%arg0, %mul3A_28, %dma_wait3A] : memref<2x10240x128xf32, #tpu.memory_space<hbm>> -> memref<1x640x128xf32, #tpu.memory_space<hbm>>
      %dma_wait3A_34 = tpu.memref_squeeze %dma_wait3A_33 : memref<1x640x128xf32, #tpu.memory_space<hbm>> -> memref<640x128xf32, #tpu.memory_space<hbm>>
      %dma_wait3A_35 = arith.constant 0 : i32
      %dma_wait3A_36 = tpu.memref_slice %arg6[%mul3A_26, %dma_wait3A_35] : memref<10240x128xf32, #tpu.memory_space<vmem_shared>> -> memref<640x128xf32, #tpu.memory_space<vmem_shared>>
      tpu.wait_dma2 semaphore(%run_scoped3A : memref<!tpu.dma_semaphore, #tpu.memory_space<semaphore_mem>>) src(%dma_wait3A_36 : memref<640x128xf32, #tpu.memory_space<vmem_shared>>) dst(%dma_wait3A_34 : memref<640x128xf32, #tpu.memory_space<hbm>>)
      tpu.yield
    }) : () -> ()
    return
  }
}

#map = affine_map<(d0, d1) -> (0)>
#map1 = affine_map<(d0, d1) -> (0, 0)>
module attributes {stable_mosaic.version = 14 : i64} {
  func.func @_deg_body(%arg0: i32, %arg1: i32, %arg2: memref<320000xi32, #tpu.memory_space<hbm>>, %arg3: memref<32x10240xf32, #tpu.memory_space<hbm>>, %arg4: memref<10240xf32, #tpu.memory_space<vmem>>, %arg5: memref<80xi32, #tpu.memory_space<vmem>>) attributes {dimension_semantics = [#tpu.dimension_semantics<core_parallel>, #tpu.dimension_semantics<subcore_parallel>], iteration_bounds = array<i64: 2, 16>, scalar_prefetch = 0 : i64, scratch_operands = 2 : i64, tpu.core_type = #tpu.core_type<sc_vector_subcore>, window_params = [{transform_indices = #map}, {transform_indices = #map1}]} {
    %mul3A = arith.constant 16 : i32
    %mul3A_0 = arith.muli %arg0, %mul3A : i32
    %add3A = arith.addi %mul3A_0, %arg1 : i32
    %broadcast_in_dim3A = arith.constant 0.000000e+00 : f32
    %broadcast_in_dim3A_1 = vector.broadcast %broadcast_in_dim3A : f32 to vector<16xf32>
    %scan3A = arith.constant 0 : i32
    %scan3A_2 = arith.constant 0 : i32
    %scan3A_3 = arith.constant 640 : i32
    %scan3A_4 = arith.addi %scan3A_2, %scan3A_3 : i32
    %scan3A_5 = arith.constant 1 : i32
    %scan3A_6 = scf.for %scan3A_19 = %scan3A_2 to %scan3A_4 step %scan3A_5 iter_args(%scan3A_20 = %scan3A) -> (i32)  : i32 {
      %mul3A_21 = arith.constant 16 : i32
      %mul3A_22 = arith.muli %scan3A_19, %mul3A_21 : i32
      %swap3A = arith.index_cast %mul3A_22 : i32 to index
      %swap3A_23 = tpu.vector_load %arg4[%swap3A] {strides = array<i32>} : memref<10240xf32, #tpu.memory_space<vmem>>, vector<16xf32>,
      tpu.vector_store %arg4[%swap3A], %broadcast_in_dim3A_1 {strides = array<i32>} : memref<10240xf32, #tpu.memory_space<vmem>>, vector<16xf32>,
      %scan3A_24 = arith.constant 0 : i32
      scf.yield %scan3A_24 : i32
    }
    %scan3A_7 = arith.constant 640 : i32
    %broadcast_in_dim3A_8 = arith.constant 1.000000e+00 : f32
    %broadcast_in_dim3A_9 = vector.broadcast %broadcast_in_dim3A_8 : f32 to vector<16xf32>
    %mul3A_10 = arith.constant 10000 : i32
    %mul3A_11 = arith.muli %add3A, %mul3A_10 : i32
    %scan3A_12 = arith.constant 0 : i32
    %scan3A_13 = arith.constant 0 : i32
    %scan3A_14 = arith.constant 125 : i32
    %scan3A_15 = arith.addi %scan3A_13, %scan3A_14 : i32
    %scan3A_16 = arith.constant 1 : i32
    %scan3A_17 = scf.for %scan3A_19 = %scan3A_13 to %scan3A_15 step %scan3A_16 iter_args(%scan3A_20 = %scan3A_12) -> (i32)  : i32 {
      %mul3A_21 = arith.constant 80 : i32
      %mul3A_22 = arith.muli %scan3A_19, %mul3A_21 : i32
      %add3A_23 = arith.addi %mul3A_11, %mul3A_22 : i32
      "tpu.region"() ({
        %run_scoped3A = tpu.sem_alloc : memref<!tpu.dma_semaphore, #tpu.memory_space<semaphore_mem>>
        %dma_start3A = tpu.memref_slice %arg2[%add3A_23] : memref<320000xi32, #tpu.memory_space<hbm>> -> memref<80xi32, #tpu.memory_space<hbm>>
        %dma_start3A_32 = tpu.memref_slice %arg2[%add3A_23] : memref<320000xi32, #tpu.memory_space<hbm>> -> memref<80xi32, #tpu.memory_space<hbm>>
        tpu.enqueue_dma source(%dma_start3A_32 : memref<80xi32, #tpu.memory_space<hbm>>) target(%arg5 : memref<80xi32, #tpu.memory_space<vmem>>) target_semaphore(%run_scoped3A : memref<!tpu.dma_semaphore, #tpu.memory_space<semaphore_mem>>)
        %dma_wait3A = tpu.memref_slice %arg2[%add3A_23] : memref<320000xi32, #tpu.memory_space<hbm>> -> memref<80xi32, #tpu.memory_space<hbm>>
        %dma_wait3A_33 = tpu.memref_slice %arg2[%add3A_23] : memref<320000xi32, #tpu.memory_space<hbm>> -> memref<80xi32, #tpu.memory_space<hbm>>
        tpu.wait_dma2 semaphore(%run_scoped3A : memref<!tpu.dma_semaphore, #tpu.memory_space<semaphore_mem>>) src(%dma_wait3A_33 : memref<80xi32, #tpu.memory_space<hbm>>) dst(%arg5 : memref<80xi32, #tpu.memory_space<vmem>>)
        tpu.yield
      }) : () -> ()
      %scan3A_24 = arith.constant 0 : i32
      %scan3A_25 = arith.constant 0 : i32
      %scan3A_26 = arith.constant 5 : i32
      %scan3A_27 = arith.addi %scan3A_25, %scan3A_26 : i32
      %scan3A_28 = arith.constant 1 : i32
      %scan3A_29 = scf.for %scan3A_32 = %scan3A_25 to %scan3A_27 step %scan3A_28 iter_args(%scan3A_33 = %scan3A_24) -> (i32)  : i32 {
        %mul3A_34 = arith.constant 16 : i32
        %mul3A_35 = arith.muli %scan3A_32, %mul3A_34 : i32
        %get3A = arith.index_cast %mul3A_35 : i32 to index
        %get3A_36 = tpu.vector_load %arg5[%get3A] {strides = array<i32>} : memref<80xi32, #tpu.memory_space<vmem>>, vector<16xi32>,
        tpu.vector_store_idx %arg4[%get3A_36], %broadcast_in_dim3A_9 {add = true} : memref<10240xf32, #tpu.memory_space<vmem>>[vector<16xi32>], vector<16xf32>,
        %scan3A_37 = arith.constant 0 : i32
        scf.yield %scan3A_37 : i32
      }
      %scan3A_30 = arith.constant 5 : i32
      %scan3A_31 = arith.constant 0 : i32
      scf.yield %scan3A_31 : i32
    }
    %scan3A_18 = arith.constant 125 : i32
    "tpu.region"() ({
      %run_scoped3A = tpu.sem_alloc : memref<!tpu.dma_semaphore, #tpu.memory_space<semaphore_mem>>
      %dma_start3A = arith.constant 0 : i32
      %dma_start3A_19 = tpu.memref_slice %arg3[%add3A, %dma_start3A] : memref<32x10240xf32, #tpu.memory_space<hbm>> -> memref<1x10240xf32, #tpu.memory_space<hbm>>
      %dma_start3A_20 = tpu.memref_squeeze %dma_start3A_19 : memref<1x10240xf32, #tpu.memory_space<hbm>> -> memref<10240xf32, #tpu.memory_space<hbm>>
      %dma_start3A_21 = arith.constant 0 : i32
      %dma_start3A_22 = tpu.memref_slice %arg3[%add3A, %dma_start3A_21] : memref<32x10240xf32, #tpu.memory_space<hbm>> -> memref<1x10240xf32, #tpu.memory_space<hbm>>
      %dma_start3A_23 = tpu.memref_squeeze %dma_start3A_22 : memref<1x10240xf32, #tpu.memory_space<hbm>> -> memref<10240xf32, #tpu.memory_space<hbm>>
      tpu.enqueue_dma source(%arg4 : memref<10240xf32, #tpu.memory_space<vmem>>) target(%dma_start3A_23 : memref<10240xf32, #tpu.memory_space<hbm>>) target_semaphore(%run_scoped3A : memref<!tpu.dma_semaphore, #tpu.memory_space<semaphore_mem>>)
      %dma_wait3A = arith.constant 0 : i32
      %dma_wait3A_24 = tpu.memref_slice %arg3[%add3A, %dma_wait3A] : memref<32x10240xf32, #tpu.memory_space<hbm>> -> memref<1x10240xf32, #tpu.memory_space<hbm>>
      %dma_wait3A_25 = tpu.memref_squeeze %dma_wait3A_24 : memref<1x10240xf32, #tpu.memory_space<hbm>> -> memref<10240xf32, #tpu.memory_space<hbm>>
      %dma_wait3A_26 = arith.constant 0 : i32
      %dma_wait3A_27 = tpu.memref_slice %arg3[%add3A, %dma_wait3A_26] : memref<32x10240xf32, #tpu.memory_space<hbm>> -> memref<1x10240xf32, #tpu.memory_space<hbm>>
      %dma_wait3A_28 = tpu.memref_squeeze %dma_wait3A_27 : memref<1x10240xf32, #tpu.memory_space<hbm>> -> memref<10240xf32, #tpu.memory_space<hbm>>
      tpu.wait_dma2 semaphore(%run_scoped3A : memref<!tpu.dma_semaphore, #tpu.memory_space<semaphore_mem>>) src(%arg4 : memref<10240xf32, #tpu.memory_space<vmem>>) dst(%dma_wait3A_28 : memref<10240xf32, #tpu.memory_space<hbm>>)
      tpu.yield
    }) : () -> ()
    return
  }
}

#map = affine_map<(d0, d1) -> (0)>
#map1 = affine_map<(d0, d1) -> (0, 0)>
#map2 = affine_map<(d0, d1) -> (0, 0, 0)>
module attributes {stable_mosaic.version = 14 : i64} {
  func.func @_agg_body(%arg0: i32, %arg1: i32, %arg2: memref<320000xi32, #tpu.memory_space<hbm>>, %arg3: memref<320000xi32, #tpu.memory_space<hbm>>, %arg4: memref<10240x128xf32, #tpu.memory_space<hbm>>, %arg5: memref<2x10240x128xf32, #tpu.memory_space<hbm>>, %arg6: memref<10240x128xf32, #tpu.memory_space<vmem_shared>>, %arg7: memref<80xi32, #tpu.memory_space<vmem>>, %arg8: memref<80xi32, #tpu.memory_space<vmem>>, %arg9: memref<80x128xf32, #tpu.memory_space<vmem>>, %arg10: memref<!tpu.dma_semaphore, #tpu.memory_space<semaphore_mem>>) attributes {dimension_semantics = [#tpu.dimension_semantics<core_parallel>, #tpu.dimension_semantics<subcore_parallel>], iteration_bounds = array<i64: 2, 16>, scalar_prefetch = 0 : i64, scratch_operands = 5 : i64, tpu.core_type = #tpu.core_type<sc_vector_subcore>, window_params = [{transform_indices = #map}, {transform_indices = #map}, {transform_indices = #map1}, {transform_indices = #map2}]} {
    %mul3A = arith.constant 16 : i32
    %mul3A_0 = arith.muli %arg0, %mul3A : i32
    %add3A = arith.addi %mul3A_0, %arg1 : i32
    %broadcast_in_dim3A = arith.constant 0.000000e+00 : f32
    %broadcast_in_dim3A_1 = vector.broadcast %broadcast_in_dim3A : f32 to vector<16xf32>
    %scan3A = arith.constant 0 : i32
    %scan3A_2 = arith.constant 0 : i32
    %scan3A_3 = arith.constant 640 : i32
    %scan3A_4 = arith.addi %scan3A_2, %scan3A_3 : i32
    %scan3A_5 = arith.constant 1 : i32
    %scan3A_6 = scf.for %scan3A_29 = %scan3A_2 to %scan3A_4 step %scan3A_5 iter_args(%scan3A_30 = %scan3A) -> (i32)  : i32 {
      %jit3A = arith.constant 8 : i32
      %div3A = arith.divsi %scan3A_29, %jit3A : i32
      %sign3A = arith.constant 0 : i32
      %sign3A_31 = arith.cmpi sgt, %scan3A_29, %sign3A : i32
      %sign3A_32 = arith.extui %sign3A_31 : i1 to i32
      %sign3A_33 = arith.constant 0 : i32
      %sign3A_34 = arith.cmpi slt, %scan3A_29, %sign3A_33 : i32
      %sign3A_35 = arith.extui %sign3A_34 : i1 to i32
      %sign3A_36 = arith.subi %sign3A_32, %sign3A_35 : i32
      %sign3A_37 = arith.constant 0 : i32
      %sign3A_38 = arith.cmpi sgt, %jit3A, %sign3A_37 : i32
      %sign3A_39 = arith.extui %sign3A_38 : i1 to i32
      %sign3A_40 = arith.constant 0 : i32
      %sign3A_41 = arith.cmpi slt, %jit3A, %sign3A_40 : i32
      %sign3A_42 = arith.extui %sign3A_41 : i1 to i32
      %sign3A_43 = arith.subi %sign3A_39, %sign3A_42 : i32
      %ne3A = arith.cmpi ne, %sign3A_36, %sign3A_43 : i32
      %rem3A = arith.remsi %scan3A_29, %jit3A : i32
      %ne3A_44 = arith.constant 0 : i32
      %ne3A_45 = arith.cmpi ne, %rem3A, %ne3A_44 : i32
      %and3A = arith.andi %ne3A, %ne3A_45 : i1
      %sub3A = arith.constant 1 : i32
      %sub3A_46 = arith.subi %div3A, %sub3A : i32
      %select_n3A = arith.select %and3A, %sub3A_46, %div3A : i32
      %jit3A_47 = arith.constant 8 : i32
      %eq3A = arith.constant 0 : i32
      %eq3A_48 = arith.cmpi eq, %jit3A_47, %eq3A : i32
      %jit3A_49 = arith.constant 1 : i32
      %select_n3A_50 = arith.select %eq3A_48, %jit3A_49, %jit3A_47 : i32
      %rem3A_51 = arith.remsi %scan3A_29, %select_n3A_50 : i32
      %ne3A_52 = arith.constant 0 : i32
      %ne3A_53 = arith.cmpi ne, %rem3A_51, %ne3A_52 : i32
      %lt3A = arith.constant 0 : i32
      %lt3A_54 = arith.cmpi slt, %rem3A_51, %lt3A : i32
      %lt3A_55 = arith.constant 0 : i32
      %lt3A_56 = arith.cmpi slt, %select_n3A_50, %lt3A_55 : i32
      %ne3A_57 = arith.xori %lt3A_54, %lt3A_56 : i1
      %and3A_58 = arith.andi %ne3A_57, %ne3A_53 : i1
      %add3A_59 = arith.addi %rem3A_51, %select_n3A_50 : i32
      %select_n3A_60 = arith.select %and3A_58, %add3A_59, %rem3A_51 : i32
      %mul3A_61 = arith.constant 16 : i32
      %mul3A_62 = arith.muli %select_n3A_60, %mul3A_61 : i32
      %swap3A = arith.index_cast %select_n3A : i32 to index
      %swap3A_63 = arith.index_cast %mul3A_62 : i32 to index
      %swap3A_64 = tpu.vector_load %arg9[%swap3A, %swap3A_63] {strides = array<i32>} : memref<80x128xf32, #tpu.memory_space<vmem>>, vector<16xf32>,
      tpu.vector_store %arg9[%swap3A, %swap3A_63], %broadcast_in_dim3A_1 {strides = array<i32>} : memref<80x128xf32, #tpu.memory_space<vmem>>, vector<16xf32>,
      %scan3A_65 = arith.constant 0 : i32
      scf.yield %scan3A_65 : i32
    }
    %scan3A_7 = arith.constant 640 : i32
    %scan3A_8 = arith.constant 0 : i32
    %scan3A_9 = arith.constant 0 : i32
    %scan3A_10 = arith.constant 8 : i32
    %scan3A_11 = arith.addi %scan3A_9, %scan3A_10 : i32
    %scan3A_12 = arith.constant 1 : i32
    %scan3A_13 = scf.for %scan3A_29 = %scan3A_9 to %scan3A_11 step %scan3A_12 iter_args(%scan3A_30 = %scan3A_8) -> (i32)  : i32 {
      %mul3A_31 = arith.constant 640 : i32
      %mul3A_32 = arith.muli %arg1, %mul3A_31 : i32
      %mul3A_33 = arith.constant 80 : i32
      %mul3A_34 = arith.muli %scan3A_29, %mul3A_33 : i32
      %add3A_35 = arith.addi %mul3A_32, %mul3A_34 : i32
      "tpu.region"() ({
        %run_scoped3A = tpu.sem_alloc : memref<!tpu.dma_semaphore, #tpu.memory_space<semaphore_mem>>
        %dma_start3A = arith.constant 0 : i32
        %dma_start3A_37 = tpu.memref_slice %arg6[%add3A_35, %dma_start3A] : memref<10240x128xf32, #tpu.memory_space<vmem_shared>> -> memref<80x128xf32, #tpu.memory_space<vmem_shared>>
        %dma_start3A_38 = arith.constant 0 : i32
        %dma_start3A_39 = tpu.memref_slice %arg6[%add3A_35, %dma_start3A_38] : memref<10240x128xf32, #tpu.memory_space<vmem_shared>> -> memref<80x128xf32, #tpu.memory_space<vmem_shared>>
        tpu.enqueue_dma source(%arg9 : memref<80x128xf32, #tpu.memory_space<vmem>>) target(%dma_start3A_39 : memref<80x128xf32, #tpu.memory_space<vmem_shared>>) target_semaphore(%run_scoped3A : memref<!tpu.dma_semaphore, #tpu.memory_space<semaphore_mem>>)
        %dma_wait3A = arith.constant 0 : i32
        %dma_wait3A_40 = tpu.memref_slice %arg6[%add3A_35, %dma_wait3A] : memref<10240x128xf32, #tpu.memory_space<vmem_shared>> -> memref<80x128xf32, #tpu.memory_space<vmem_shared>>
        %dma_wait3A_41 = arith.constant 0 : i32
        %dma_wait3A_42 = tpu.memref_slice %arg6[%add3A_35, %dma_wait3A_41] : memref<10240x128xf32, #tpu.memory_space<vmem_shared>> -> memref<80x128xf32, #tpu.memory_space<vmem_shared>>
        tpu.wait_dma2 semaphore(%run_scoped3A : memref<!tpu.dma_semaphore, #tpu.memory_space<semaphore_mem>>) src(%arg9 : memref<80x128xf32, #tpu.memory_space<vmem>>) dst(%dma_wait3A_42 : memref<80x128xf32, #tpu.memory_space<vmem_shared>>)
        tpu.yield
      }) : () -> ()
      %scan3A_36 = arith.constant 0 : i32
      scf.yield %scan3A_36 : i32
    }
    %scan3A_14 = arith.constant 8 : i32
    %barrier3A = arith.constant 0 : index
    tpu.barrier barrier_id(%barrier3A)
    %mul3A_15 = arith.constant 10000 : i32
    %mul3A_16 = arith.muli %add3A, %mul3A_15 : i32
    %scan3A_17 = arith.constant 0 : i32
    %scan3A_18 = arith.constant 0 : i32
    %scan3A_19 = arith.constant 125 : i32
    %scan3A_20 = arith.addi %scan3A_18, %scan3A_19 : i32
    %scan3A_21 = arith.constant 1 : i32
    %scan3A_22 = scf.for %scan3A_29 = %scan3A_18 to %scan3A_20 step %scan3A_21 iter_args(%scan3A_30 = %scan3A_17) -> (i32)  : i32 {
      %mul3A_31 = arith.constant 80 : i32
      %mul3A_32 = arith.muli %scan3A_29, %mul3A_31 : i32
      %add3A_33 = arith.addi %mul3A_16, %mul3A_32 : i32
      "tpu.region"() ({
        %run_scoped3A = tpu.sem_alloc : memref<!tpu.dma_semaphore, #tpu.memory_space<semaphore_mem>>
        %dma_start3A_39 = tpu.memref_slice %arg2[%add3A_33] : memref<320000xi32, #tpu.memory_space<hbm>> -> memref<80xi32, #tpu.memory_space<hbm>>
        %dma_start3A_40 = tpu.memref_slice %arg2[%add3A_33] : memref<320000xi32, #tpu.memory_space<hbm>> -> memref<80xi32, #tpu.memory_space<hbm>>
        tpu.enqueue_dma source(%dma_start3A_40 : memref<80xi32, #tpu.memory_space<hbm>>) target(%arg7 : memref<80xi32, #tpu.memory_space<vmem>>) target_semaphore(%run_scoped3A : memref<!tpu.dma_semaphore, #tpu.memory_space<semaphore_mem>>)
        %dma_wait3A_41 = tpu.memref_slice %arg2[%add3A_33] : memref<320000xi32, #tpu.memory_space<hbm>> -> memref<80xi32, #tpu.memory_space<hbm>>
        %dma_wait3A_42 = tpu.memref_slice %arg2[%add3A_33] : memref<320000xi32, #tpu.memory_space<hbm>> -> memref<80xi32, #tpu.memory_space<hbm>>
        tpu.wait_dma2 semaphore(%run_scoped3A : memref<!tpu.dma_semaphore, #tpu.memory_space<semaphore_mem>>) src(%dma_wait3A_42 : memref<80xi32, #tpu.memory_space<hbm>>) dst(%arg7 : memref<80xi32, #tpu.memory_space<vmem>>)
        tpu.yield
      }) : () -> ()
      "tpu.region"() ({
        %run_scoped3A = tpu.sem_alloc : memref<!tpu.dma_semaphore, #tpu.memory_space<semaphore_mem>>
        %dma_start3A_39 = tpu.memref_slice %arg3[%add3A_33] : memref<320000xi32, #tpu.memory_space<hbm>> -> memref<80xi32, #tpu.memory_space<hbm>>
        %dma_start3A_40 = tpu.memref_slice %arg3[%add3A_33] : memref<320000xi32, #tpu.memory_space<hbm>> -> memref<80xi32, #tpu.memory_space<hbm>>
        tpu.enqueue_dma source(%dma_start3A_40 : memref<80xi32, #tpu.memory_space<hbm>>) target(%arg8 : memref<80xi32, #tpu.memory_space<vmem>>) target_semaphore(%run_scoped3A : memref<!tpu.dma_semaphore, #tpu.memory_space<semaphore_mem>>)
        %dma_wait3A_41 = tpu.memref_slice %arg3[%add3A_33] : memref<320000xi32, #tpu.memory_space<hbm>> -> memref<80xi32, #tpu.memory_space<hbm>>
        %dma_wait3A_42 = tpu.memref_slice %arg3[%add3A_33] : memref<320000xi32, #tpu.memory_space<hbm>> -> memref<80xi32, #tpu.memory_space<hbm>>
        tpu.wait_dma2 semaphore(%run_scoped3A : memref<!tpu.dma_semaphore, #tpu.memory_space<semaphore_mem>>) src(%dma_wait3A_42 : memref<80xi32, #tpu.memory_space<hbm>>) dst(%arg8 : memref<80xi32, #tpu.memory_space<vmem>>)
        tpu.yield
      }) : () -> ()
      %dma_start3A = arith.constant 0 : i32
      %dma_start3A_34 = arith.constant 0 : i32
      %dma_start3A_35 = tpu.memref_slice %arg4[%dma_start3A, %dma_start3A_34] : memref<10240x128xf32, #tpu.memory_space<hbm>> -> memref<10240x128xf32, #tpu.memory_space<hbm>>
      tpu.enqueue_indirect_dma source(%dma_start3A_35 : memref<10240x128xf32, #tpu.memory_space<hbm>>) target(%arg9 : memref<80x128xf32, #tpu.memory_space<vmem>>) offsets(%arg7 : memref<80xi32, #tpu.memory_space<vmem>>) semaphore(%arg10 : memref<!tpu.dma_semaphore, #tpu.memory_space<semaphore_mem>>)
      %dma_wait3A = arith.constant 0 : i32
      %dma_wait3A_36 = arith.constant 0 : i32
      %dma_wait3A_37 = tpu.memref_slice %arg4[%dma_wait3A, %dma_wait3A_36] : memref<10240x128xf32, #tpu.memory_space<hbm>> -> memref<10240x128xf32, #tpu.memory_space<hbm>>
      tpu.wait_indirect_dma semaphore(%arg10 : memref<!tpu.dma_semaphore, #tpu.memory_space<semaphore_mem>>) src(%dma_wait3A_37 : memref<10240x128xf32, #tpu.memory_space<hbm>>) dst(%arg9 : memref<80x128xf32, #tpu.memory_space<vmem>>)
      "tpu.region"() ({
        %run_scoped3A = tpu.sem_alloc : memref<!tpu.dma_semaphore, #tpu.memory_space<semaphore_mem>>
        %dma_start3A_39 = arith.constant 0 : i32
        %dma_start3A_40 = arith.constant 0 : i32
        %dma_start3A_41 = tpu.memref_slice %arg6[%dma_start3A_39, %dma_start3A_40] : memref<10240x128xf32, #tpu.memory_space<vmem_shared>> -> memref<10240x128xf32, #tpu.memory_space<vmem_shared>>
        tpu.enqueue_indirect_dma source(%arg9 : memref<80x128xf32, #tpu.memory_space<vmem>>) target(%dma_start3A_41 : memref<10240x128xf32, #tpu.memory_space<vmem_shared>>) offsets(%arg8 : memref<80xi32, #tpu.memory_space<vmem>>) semaphore(%run_scoped3A : memref<!tpu.dma_semaphore, #tpu.memory_space<semaphore_mem>>) {add = true}
        %dma_wait3A_42 = arith.constant 0 : i32
        %dma_wait3A_43 = arith.constant 0 : i32
        %dma_wait3A_44 = tpu.memref_slice %arg6[%dma_wait3A_42, %dma_wait3A_43] : memref<10240x128xf32, #tpu.memory_space<vmem_shared>> -> memref<10240x128xf32, #tpu.memory_space<vmem_shared>>
        tpu.wait_indirect_dma semaphore(%run_scoped3A : memref<!tpu.dma_semaphore, #tpu.memory_space<semaphore_mem>>) src(%arg9 : memref<80x128xf32, #tpu.memory_space<vmem>>) dst(%dma_wait3A_44 : memref<10240x128xf32, #tpu.memory_space<vmem_shared>>)
        tpu.yield
      }) : () -> ()
      %scan3A_38 = arith.constant 0 : i32
      scf.yield %scan3A_38 : i32
    }
    %scan3A_23 = arith.constant 125 : i32
    %barrier3A_24 = arith.constant 0 : index
    tpu.barrier barrier_id(%barrier3A_24)
    %mul3A_25 = arith.constant 640 : i32
    %mul3A_26 = arith.muli %arg1, %mul3A_25 : i32
    %mul3A_27 = arith.constant 640 : i32
    %mul3A_28 = arith.muli %arg1, %mul3A_27 : i32
    "tpu.region"() ({
      %run_scoped3A = tpu.sem_alloc : memref<!tpu.dma_semaphore, #tpu.memory_space<semaphore_mem>>
      %dma_start3A = arith.constant 0 : i32
      %dma_start3A_29 = tpu.memref_slice %arg5[%arg0, %mul3A_28, %dma_start3A] : memref<2x10240x128xf32, #tpu.memory_space<hbm>> -> memref<1x640x128xf32, #tpu.memory_space<hbm>>
      %dma_start3A_30 = tpu.memref_squeeze %dma_start3A_29 : memref<1x640x128xf32, #tpu.memory_space<hbm>> -> memref<640x128xf32, #tpu.memory_space<hbm>>
      %dma_start3A_31 = arith.constant 0 : i32
      %dma_start3A_32 = tpu.memref_slice %arg6[%mul3A_26, %dma_start3A_31] : memref<10240x128xf32, #tpu.memory_space<vmem_shared>> -> memref<640x128xf32, #tpu.memory_space<vmem_shared>>
      tpu.enqueue_dma source(%dma_start3A_32 : memref<640x128xf32, #tpu.memory_space<vmem_shared>>) target(%dma_start3A_30 : memref<640x128xf32, #tpu.memory_space<hbm>>) target_semaphore(%run_scoped3A : memref<!tpu.dma_semaphore, #tpu.memory_space<semaphore_mem>>)
      %dma_wait3A = arith.constant 0 : i32
      %dma_wait3A_33 = tpu.memref_slice %arg5[%arg0, %mul3A_28, %dma_wait3A] : memref<2x10240x128xf32, #tpu.memory_space<hbm>> -> memref<1x640x128xf32, #tpu.memory_space<hbm>>
      %dma_wait3A_34 = tpu.memref_squeeze %dma_wait3A_33 : memref<1x640x128xf32, #tpu.memory_space<hbm>> -> memref<640x128xf32, #tpu.memory_space<hbm>>
      %dma_wait3A_35 = arith.constant 0 : i32
      %dma_wait3A_36 = tpu.memref_slice %arg6[%mul3A_26, %dma_wait3A_35] : memref<10240x128xf32, #tpu.memory_space<vmem_shared>> -> memref<640x128xf32, #tpu.memory_space<vmem_shared>>
      tpu.wait_dma2 semaphore(%run_scoped3A : memref<!tpu.dma_semaphore, #tpu.memory_space<semaphore_mem>>) src(%dma_wait3A_36 : memref<640x128xf32, #tpu.memory_space<vmem_shared>>) dst(%dma_wait3A_34 : memref<640x128xf32, #tpu.memory_space<hbm>>)
      tpu.yield
    }) : () -> ()
    return
  }
}

module attributes {stable_mosaic.version = 14 : i64} {
  func.func @_tc_a_body(%arg0: i32, %arg1: memref<256x128xf32, #tpu.memory_space<vmem>>, %arg2: memref<256x32xf32, #tpu.memory_space<vmem>>, %arg3: memref<128x128xf32, #tpu.memory_space<vmem>>, %arg4: memref<256x128xf32, #tpu.memory_space<vmem>>, %arg5: memref<256x1xf32, #tpu.memory_space<vmem>>) attributes {dimension_semantics = [#tpu.dimension_semantics<arbitrary>], iteration_bounds = array<i64: 40>, scalar_prefetch = 0 : i64, scratch_operands = 0 : i64, tpu.core_type = #tpu.core_type<tc>, window_params = [{transform_indices = @transform_0, window_bounds = array<i64: 256, 128>}, {transform_indices = @transform_1, window_bounds = array<i64: 256, 32>}, {pipeline_mode = #tpu.pipeline_mode<synchronous>, transform_indices = @transform_2, window_bounds = array<i64: 128, 128>}, {transform_indices = @transform_3, window_bounds = array<i64: 256, 128>}, {transform_indices = @transform_4, window_bounds = array<i64: 256, 1>}]} {
    %get3A = arith.constant 0 : index
    %get3A_0 = arith.constant 0 : index
    %get3A_1 = vector.load %arg2[%get3A, %get3A_0] : memref<256x32xf32, #tpu.memory_space<vmem>>, vector<256x32xf32>
    %reduce_sum3A = arith.constant dense<0.000000e+00> : vector<256xf32>
    %reduce_sum3A_2 = vector.multi_reduction <add>, %get3A_1, %reduce_sum3A [1] : vector<256x32xf32> to vector<256xf32>
    %broadcast_in_dim3A = vector.shape_cast %reduce_sum3A_2 : vector<256xf32> to vector<256x1xf32>
    %add3A = arith.constant 1.000000e+00 : f32
    %add3A_3 = vector.broadcast %add3A : f32 to vector<256x1xf32>
    %add3A_4 = arith.addf %broadcast_in_dim3A, %add3A_3 : vector<256x1xf32>
    %rsqrt3A = math.rsqrt %add3A_4 : vector<256x1xf32>
    %get3A_5 = arith.constant 0 : index
    %get3A_6 = arith.constant 0 : index
    %get3A_7 = vector.load %arg1[%get3A_5, %get3A_6] : memref<256x128xf32, #tpu.memory_space<vmem>>, vector<256x128xf32>
    %get3A_8 = arith.constant 0 : index
    %get3A_9 = arith.constant 0 : index
    %get3A_10 = vector.load %arg3[%get3A_8, %get3A_9] : memref<128x128xf32, #tpu.memory_space<vmem>>, vector<128x128xf32>
    %dot_general3A = arith.constant dense<0.000000e+00> : vector<256x128xf32>
    %dot_general3A_11 = tpu.matmul %get3A_7, %get3A_10, %dot_general3A {dimension_numbers = #tpu.dot_dimension_numbers<[1], [0], [0], [1], [0, 0, 1, 1], [], []>, transpose_lhs_hint = false} : vector<256x128xf32>, vector<128x128xf32>, vector<256x128xf32> -> vector<256x128xf32>
    %mul3A = vector.broadcast %rsqrt3A : vector<256x1xf32> to vector<256x128xf32>
    %mul3A_12 = arith.mulf %mul3A, %dot_general3A_11 : vector<256x128xf32>
    %swap3A = arith.constant 0 : index
    %swap3A_13 = arith.constant 0 : index
    %swap3A_14 = vector.load %arg4[%swap3A, %swap3A_13] : memref<256x128xf32, #tpu.memory_space<vmem>>, vector<256x128xf32>
    tpu.vector_store %arg4[%swap3A, %swap3A_13], %mul3A_12 {strides = array<i32>} : memref<256x128xf32, #tpu.memory_space<vmem>>, vector<256x128xf32>,
    %swap3A_15 = arith.constant 0 : index
    %swap3A_16 = arith.constant 0 : index
    %swap3A_17 = vector.load %arg5[%swap3A_15, %swap3A_16] : memref<256x1xf32, #tpu.memory_space<vmem>>, vector<256x1xf32>
    tpu.vector_store %arg5[%swap3A_15, %swap3A_16], %rsqrt3A {strides = array<i32>} : memref<256x1xf32, #tpu.memory_space<vmem>>, vector<256x1xf32>,
    return
  }
  func.func @transform_0(%arg0: i32) -> (i32, i32) {
    %c0_i32 = arith.constant 0 : i32
    %c0_i32_0 = arith.constant 0 : i32
    return %arg0, %c0_i32 : i32, i32
  }
  func.func @transform_1(%arg0: i32) -> (i32, i32) {
    %c0_i32 = arith.constant 0 : i32
    %c0_i32_0 = arith.constant 0 : i32
    return %arg0, %c0_i32 : i32, i32
  }
  func.func @transform_2(%arg0: i32) -> (i32, i32) {
    %c0_i32 = arith.constant 0 : i32
    %c0_i32_0 = arith.constant 0 : i32
    %c0_i32_1 = arith.constant 0 : i32
    return %c0_i32, %c0_i32_0 : i32, i32
  }
  func.func @transform_3(%arg0: i32) -> (i32, i32) {
    %c0_i32 = arith.constant 0 : i32
    %c0_i32_0 = arith.constant 0 : i32
    return %arg0, %c0_i32 : i32, i32
  }
  func.func @transform_4(%arg0: i32) -> (i32, i32) {
    %c0_i32 = arith.constant 0 : i32
    %c0_i32_0 = arith.constant 0 : i32
    return %arg0, %c0_i32 : i32, i32
  }
}

module attributes {stable_mosaic.version = 14 : i64} {
  func.func @_tc_b_body(%arg0: i32, %arg1: memref<2x256x128xf32, #tpu.memory_space<vmem>>, %arg2: memref<256x128xf32, #tpu.memory_space<vmem>>, %arg3: memref<256x1xf32, #tpu.memory_space<vmem>>, %arg4: memref<1x128xf32, #tpu.memory_space<vmem>>, %arg5: memref<128x128xf32, #tpu.memory_space<vmem>>, %arg6: memref<256x128xf32, #tpu.memory_space<vmem>>) attributes {dimension_semantics = [#tpu.dimension_semantics<arbitrary>], iteration_bounds = array<i64: 40>, scalar_prefetch = 0 : i64, scratch_operands = 0 : i64, tpu.core_type = #tpu.core_type<tc>, window_params = [{transform_indices = @transform_0, window_bounds = array<i64: 2, 256, 128>}, {transform_indices = @transform_1, window_bounds = array<i64: 256, 128>}, {transform_indices = @transform_2, window_bounds = array<i64: 256, 1>}, {pipeline_mode = #tpu.pipeline_mode<synchronous>, transform_indices = @transform_3, window_bounds = array<i64: 1, 128>}, {pipeline_mode = #tpu.pipeline_mode<synchronous>, transform_indices = @transform_4, window_bounds = array<i64: 128, 128>}, {transform_indices = @transform_5, window_bounds = array<i64: 256, 128>}]} {
    %get3A = arith.constant 0 : index
    %get3A_0 = arith.constant 0 : index
    %get3A_1 = arith.constant 0 : index
    %get3A_2 = vector.load %arg1[%get3A, %get3A_0, %get3A_1] : memref<2x256x128xf32, #tpu.memory_space<vmem>>, vector<1x256x128xf32>
    %get3A_3 = vector.shape_cast %get3A_2 : vector<1x256x128xf32> to vector<256x128xf32>
    %get3A_4 = arith.constant 1 : index
    %get3A_5 = arith.constant 0 : index
    %get3A_6 = arith.constant 0 : index
    %get3A_7 = vector.load %arg1[%get3A_4, %get3A_5, %get3A_6] : memref<2x256x128xf32, #tpu.memory_space<vmem>>, vector<1x256x128xf32>
    %get3A_8 = vector.shape_cast %get3A_7 : vector<1x256x128xf32> to vector<256x128xf32>
    %add3A = arith.addf %get3A_3, %get3A_8 : vector<256x128xf32>
    %get3A_9 = arith.constant 0 : index
    %get3A_10 = arith.constant 0 : index
    %get3A_11 = vector.load %arg2[%get3A_9, %get3A_10] : memref<256x128xf32, #tpu.memory_space<vmem>>, vector<256x128xf32>
    %add3A_12 = arith.addf %add3A, %get3A_11 : vector<256x128xf32>
    %get3A_13 = arith.constant 0 : index
    %get3A_14 = arith.constant 0 : index
    %get3A_15 = vector.load %arg3[%get3A_13, %get3A_14] : memref<256x1xf32, #tpu.memory_space<vmem>>, vector<256x1xf32>
    %mul3A = vector.broadcast %get3A_15 : vector<256x1xf32> to vector<256x128xf32>
    %mul3A_16 = arith.mulf %mul3A, %add3A_12 : vector<256x128xf32>
    %get3A_17 = arith.constant 0 : index
    %get3A_18 = arith.constant 0 : index
    %get3A_19 = vector.load %arg4[%get3A_17, %get3A_18] : memref<1x128xf32, #tpu.memory_space<vmem>>, vector<1x128xf32>
    %add3A_20 = vector.broadcast %get3A_19 : vector<1x128xf32> to vector<256x128xf32>
    %add3A_21 = arith.addf %mul3A_16, %add3A_20 : vector<256x128xf32>
    %max3A = arith.constant 0.000000e+00 : f32
    %max3A_22 = vector.broadcast %max3A : f32 to vector<256x128xf32>
    %max3A_23 = arith.maximumf %add3A_21, %max3A_22 : vector<256x128xf32>
    %get3A_24 = arith.constant 0 : index
    %get3A_25 = arith.constant 0 : index
    %get3A_26 = vector.load %arg5[%get3A_24, %get3A_25] : memref<128x128xf32, #tpu.memory_space<vmem>>, vector<128x128xf32>
    %dot_general3A = arith.constant dense<0.000000e+00> : vector<256x128xf32>
    %dot_general3A_27 = tpu.matmul %max3A_23, %get3A_26, %dot_general3A {dimension_numbers = #tpu.dot_dimension_numbers<[1], [0], [0], [1], [0, 0, 1, 1], [], []>, transpose_lhs_hint = false} : vector<256x128xf32>, vector<128x128xf32>, vector<256x128xf32> -> vector<256x128xf32>
    %get3A_28 = arith.constant 0 : index
    %get3A_29 = arith.constant 0 : index
    %get3A_30 = vector.load %arg3[%get3A_28, %get3A_29] : memref<256x1xf32, #tpu.memory_space<vmem>>, vector<256x1xf32>
    %mul3A_31 = vector.broadcast %get3A_30 : vector<256x1xf32> to vector<256x128xf32>
    %mul3A_32 = arith.mulf %mul3A_31, %dot_general3A_27 : vector<256x128xf32>
    %swap3A = arith.constant 0 : index
    %swap3A_33 = arith.constant 0 : index
    %swap3A_34 = vector.load %arg6[%swap3A, %swap3A_33] : memref<256x128xf32, #tpu.memory_space<vmem>>, vector<256x128xf32>
    tpu.vector_store %arg6[%swap3A, %swap3A_33], %mul3A_32 {strides = array<i32>} : memref<256x128xf32, #tpu.memory_space<vmem>>, vector<256x128xf32>,
    return
  }
  func.func @transform_0(%arg0: i32) -> (i32, i32, i32) {
    %c0_i32 = arith.constant 0 : i32
    %c0_i32_0 = arith.constant 0 : i32
    %c0_i32_1 = arith.constant 0 : i32
    return %c0_i32, %arg0, %c0_i32_0 : i32, i32, i32
  }
  func.func @transform_1(%arg0: i32) -> (i32, i32) {
    %c0_i32 = arith.constant 0 : i32
    %c0_i32_0 = arith.constant 0 : i32
    return %arg0, %c0_i32 : i32, i32
  }
  func.func @transform_2(%arg0: i32) -> (i32, i32) {
    %c0_i32 = arith.constant 0 : i32
    %c0_i32_0 = arith.constant 0 : i32
    return %arg0, %c0_i32 : i32, i32
  }
  func.func @transform_3(%arg0: i32) -> (i32, i32) {
    %c0_i32 = arith.constant 0 : i32
    %c0_i32_0 = arith.constant 0 : i32
    %c0_i32_1 = arith.constant 0 : i32
    return %c0_i32, %c0_i32_0 : i32, i32
  }
  func.func @transform_4(%arg0: i32) -> (i32, i32) {
    %c0_i32 = arith.constant 0 : i32
    %c0_i32_0 = arith.constant 0 : i32
    %c0_i32_1 = arith.constant 0 : i32
    return %c0_i32, %c0_i32_0 : i32, i32
  }
  func.func @transform_5(%arg0: i32) -> (i32, i32) {
    %c0_i32 = arith.constant 0 : i32
    %c0_i32_0 = arith.constant 0 : i32
    return %arg0, %c0_i32 : i32, i32
  }
}

module attributes {stable_mosaic.version = 14 : i64} {
  func.func @_tc_c_body(%arg0: i32, %arg1: memref<2x256x128xf32, #tpu.memory_space<vmem>>, %arg2: memref<256x128xf32, #tpu.memory_space<vmem>>, %arg3: memref<256x1xf32, #tpu.memory_space<vmem>>, %arg4: memref<1x128xf32, #tpu.memory_space<vmem>>, %arg5: memref<256x128xf32, #tpu.memory_space<vmem>>) attributes {dimension_semantics = [#tpu.dimension_semantics<arbitrary>], iteration_bounds = array<i64: 40>, scalar_prefetch = 0 : i64, scratch_operands = 0 : i64, tpu.core_type = #tpu.core_type<tc>, window_params = [{transform_indices = @transform_0, window_bounds = array<i64: 2, 256, 128>}, {transform_indices = @transform_1, window_bounds = array<i64: 256, 128>}, {transform_indices = @transform_2, window_bounds = array<i64: 256, 1>}, {pipeline_mode = #tpu.pipeline_mode<synchronous>, transform_indices = @transform_3, window_bounds = array<i64: 1, 128>}, {transform_indices = @transform_4, window_bounds = array<i64: 256, 128>}]} {
    %get3A = arith.constant 0 : index
    %get3A_0 = arith.constant 0 : index
    %get3A_1 = arith.constant 0 : index
    %get3A_2 = vector.load %arg1[%get3A, %get3A_0, %get3A_1] : memref<2x256x128xf32, #tpu.memory_space<vmem>>, vector<1x256x128xf32>
    %get3A_3 = vector.shape_cast %get3A_2 : vector<1x256x128xf32> to vector<256x128xf32>
    %get3A_4 = arith.constant 1 : index
    %get3A_5 = arith.constant 0 : index
    %get3A_6 = arith.constant 0 : index
    %get3A_7 = vector.load %arg1[%get3A_4, %get3A_5, %get3A_6] : memref<2x256x128xf32, #tpu.memory_space<vmem>>, vector<1x256x128xf32>
    %get3A_8 = vector.shape_cast %get3A_7 : vector<1x256x128xf32> to vector<256x128xf32>
    %add3A = arith.addf %get3A_3, %get3A_8 : vector<256x128xf32>
    %get3A_9 = arith.constant 0 : index
    %get3A_10 = arith.constant 0 : index
    %get3A_11 = vector.load %arg2[%get3A_9, %get3A_10] : memref<256x128xf32, #tpu.memory_space<vmem>>, vector<256x128xf32>
    %add3A_12 = arith.addf %add3A, %get3A_11 : vector<256x128xf32>
    %get3A_13 = arith.constant 0 : index
    %get3A_14 = arith.constant 0 : index
    %get3A_15 = vector.load %arg3[%get3A_13, %get3A_14] : memref<256x1xf32, #tpu.memory_space<vmem>>, vector<256x1xf32>
    %mul3A = vector.broadcast %get3A_15 : vector<256x1xf32> to vector<256x128xf32>
    %mul3A_16 = arith.mulf %mul3A, %add3A_12 : vector<256x128xf32>
    %get3A_17 = arith.constant 0 : index
    %get3A_18 = arith.constant 0 : index
    %get3A_19 = vector.load %arg4[%get3A_17, %get3A_18] : memref<1x128xf32, #tpu.memory_space<vmem>>, vector<1x128xf32>
    %add3A_20 = vector.broadcast %get3A_19 : vector<1x128xf32> to vector<256x128xf32>
    %add3A_21 = arith.addf %mul3A_16, %add3A_20 : vector<256x128xf32>
    %swap3A = arith.constant 0 : index
    %swap3A_22 = arith.constant 0 : index
    %swap3A_23 = vector.load %arg5[%swap3A, %swap3A_22] : memref<256x128xf32, #tpu.memory_space<vmem>>, vector<256x128xf32>
    tpu.vector_store %arg5[%swap3A, %swap3A_22], %add3A_21 {strides = array<i32>} : memref<256x128xf32, #tpu.memory_space<vmem>>, vector<256x128xf32>,
    return
  }
  func.func @transform_0(%arg0: i32) -> (i32, i32, i32) {
    %c0_i32 = arith.constant 0 : i32
    %c0_i32_0 = arith.constant 0 : i32
    %c0_i32_1 = arith.constant 0 : i32
    return %c0_i32, %arg0, %c0_i32_0 : i32, i32, i32
  }
  func.func @transform_1(%arg0: i32) -> (i32, i32) {
    %c0_i32 = arith.constant 0 : i32
    %c0_i32_0 = arith.constant 0 : i32
    return %arg0, %c0_i32 : i32, i32
  }
  func.func @transform_2(%arg0: i32) -> (i32, i32) {
    %c0_i32 = arith.constant 0 : i32
    %c0_i32_0 = arith.constant 0 : i32
    return %arg0, %c0_i32 : i32, i32
  }
  func.func @transform_3(%arg0: i32) -> (i32, i32) {
    %c0_i32 = arith.constant 0 : i32
    %c0_i32_0 = arith.constant 0 : i32
    %c0_i32_1 = arith.constant 0 : i32
    return %c0_i32, %c0_i32_0 : i32, i32
  }
  func.func @transform_4(%arg0: i32) -> (i32, i32) {
    %c0_i32 = arith.constant 0 : i32
    %c0_i32_0 = arith.constant 0 : i32
    return %arg0, %c0_i32 : i32, i32
  }
}

</mosaic_0001>

<sc_bundles>
// kernel: kernel.11.cloned.1.call-start
scs
__scs_entry_jumppad:
0x0: {  	(pc) =	sbr.rel $0x88, $3  }
0x1: {  	(tag) =	ssettag $0x0;
	lr =	simm.s32 $0x1  }
0x2: {  	[smem:$0x3F9B] =	sst lr;
	_ =	strace $0xD0000000  }
0x3: {  	_ = 	snop  }
0x4: {  	_ = 	snop  }
0x5: {  	_ = 	snop  }
0x6: {  	_ = 	snop  }
0x7: {  	_ = 	snop  }
__scs_overlays_trampoline_lowered:
0x8: {  	[smem:$0x3FAA] =	sst s0  }
0x9: {  	[smem:$0x3FAB] =	sst s1  }
0xa: {  	[smem:$0x3FAC] =	sst s2  }
0xb: {  	[smem:$0x3FAD] =	sst s3  }
0xc: {  	[smem:$0x3FAE] =	sst s4  }
0xd: {  	[smem:$0x3FAF] =	sst s5  }
0xe: {  	[smem:$0x3FB0] =	sst s6  }
0xf: {  	[smem:$0x3FB1] =	sst s7  }
0x10: {  	[smem:$0x3FB2] =	sst s8  }
0x11: {  	[smem:$0x3FB3] =	sst s9;
	s0 =	simm.s32 @!p0 $0x0  }
0x12: {  	s1 =	sld [smem:$0x3F99];
	s0 =	simm.s32 @p0 $0x1  }
0x13: {  	[smem:$0x3FB4] =	sst s0;
	s0 =	simm.s32 @!p1 $0x0  }
0x14: {  	s2 =	sld [smem:$0x3F98];
	s0 =	simm.s32 @p1 $0x1  }
0x15: {  	[smem:$0x3FB5] =	sst s0;
	s0 =	simm.s32 @!p2 $0x0  }
0x16: {  	s3 =	sld [smem:$0x3FDB];
	s0 =	simm.s32 @p2 $0x1  }
0x17: {  	s4 =	simm.s32 $0x1BF5;
	[smem:$0x3FB7] =	sst s0  }
0x18: {  	s0 =	sld [smem:$0x3F9A];
	_ =	swait.ge [sflag:s4], $0x0  }
0x19: {  	s7 =	sld [smem:$0x3F9B]  }
0x1a: {  	s8 =	sadd.s32 $0xFFFFE003, lr  }
0x1b: {  	s9 =	sadd.s32 $0xFFFFFEF7, lr;
	s5 =	simm.s32 $0xFFFFFFFF;
	p2 =	slt.u32 s8, $0xFFFFF086  }
0x1c: {  	p1 =	slt.u32 s9, $0xF7A;
	s5 =	simm.s32 @!p2 $0x0  }
0x1d: {  	s5 =	simm.s32 @p1 $0x1;
	p0 =	seq.s32 s7, s2  }
0x1e: {  	s7 =	smul.u32 @!p0 $0xF7A, s2;
	p2 =	seq.s32 @!p0 s5, $0x0  }
0x1f: {  	s9 =	smul.u32 $0xF7A, s1;
	s8 =	simm.s32 @!p0 $0x1BF5;
	p2 =	por !p2, p0  }
0x20: {  	[sflag:s8] =	ssyncset.s32 @!p0 $0xFFFFF086;
	s6 =	sadd.s32 @!p0 s3, s7;
	s7 =	simm.s32 @!p0 $0x108  }
0x21: {  	s3 =	sadd.s32 s3, s9;
	s6 =	sadd.s32 @!p0 $0x88, s6;
	s7 =	simm.s32 @p2 $0x1082  }
0x22: {  	[simem:s7], [sflag:s8] =	dma.local @!p0 [hbm:s6], $0xF7A  }
0x23: {  	s9 =	sor.u32 $0xD0000000, s2;
	s6 =	simm.s32 $0x108;
	_ =	swait.ge @!p0 [sflag:s8], $0x0  }
0x24: {  	s3 =	sadd.s32 $0x88, s3;
	s6 =	simm.s32 @!p1 $0x1082;
	[sflag:s4] =	ssyncset.s32 $0xFFFFF086  }
0x25: {  	[simem:s6], [sflag:s4] =	dma.local [hbm:s3], $0xF7A  }
0x26: {  	[smem:$0x3F9B] =	sst s1;
	(tag) =	ssettag s2;
	_ =	strace s9  }
0x27: {  	s1 =	sld [smem:$0x3FAB]  }
0x28: {  	s2 =	sld [smem:$0x3FAC]  }
0x29: {  	s4 =	sld [smem:$0x3FAE]  }
0x2a: {  	p0 =	seq.s32 s5, $0x0;
	s5 =	sld [smem:$0x3FAF]  }
0x2b: {  	s6 =	sld [smem:$0x3FB0]  }
0x2c: {  	s7 =	sld [smem:$0x3FB1]  }
0x2d: {  	s3 =	simm.s32 $0x108;
	s8 =	sld [smem:$0x3FB2]  }
0x2e: {  	s3 =	simm.s32 @!p0 $0x1082;
	s9 =	sld [smem:$0x3FB3]  }
0x2f: {  	lr =	sadd.s32 s0, s3;
	s0 =	sld [smem:$0x3FAA]  }
0x30: {  	s3 =	sld [smem:$0x3FAD]  }
0x31: {  	[smem:$0x3FB6] =	sst s10  }
0x32: {  	s10 =	sld [smem:$0x3FB4];
	_ =	sdelay $0x3  }
0x33: {  	p0 =	seq.s32 s10, $0x1;
	s10 =	sld [smem:$0x3FB6];
	_ =	sdelay $0x3  }
0x34: {  	[smem:$0x3FB6] =	sst s10  }
0x35: {  	s10 =	sld [smem:$0x3FB5];
	_ =	sdelay $0x3  }
0x36: {  	p1 =	seq.s32 s10, $0x1;
	s10 =	sld [smem:$0x3FB6];
	_ =	sdelay $0x3  }
0x37: {  	[smem:$0x3FB6] =	sst s10  }
0x38: {  	s10 =	sld [smem:$0x3FB7]  }
0x39: {  	_ = 	snop;
	(pc) =	sbr.ind lr, $3  }
0x3a: {  	_ = 	snop  }
0x3b: {  	_ = 	snop  }
0x3c: {  	p2 =	seq.s32 s10, $0x1;
	s10 =	sld [smem:$0x3FB6]  }
0x3d: {  	_ =	shalt  }
0x3e: {  	_ =	shalt  }
0x3f: {  	_ =	shalt  }
0x40: {  	_ =	shalt  }
0x41: {  	_ =	shalt  }
0x42: {  	_ =	shalt  }
0x43: {  	_ =	shalt  }
0x44: {  	_ =	shalt  }
0x45: {  	_ =	shalt  }
0x46: {  	_ =	shalt  }
0x47: {  	_ =	shalt  }
0x48: {  	_ =	shalt  }
0x49: {  	_ =	shalt  }
0x4a: {  	_ =	shalt  }
0x4b: {  	_ =	shalt  }
0x4c: {  	_ =	shalt  }
0x4d: {  	_ =	shalt  }
0x4e: {  	_ =	shalt  }
0x4f: {  	_ =	shalt  }
0x50: {  	_ =	shalt  }
0x51: {  	_ =	shalt  }
0x52: {  	_ =	shalt  }
0x53: {  	_ =	shalt  }
0x54: {  	_ =	shalt  }
0x55: {  	_ =	shalt  }
0x56: {  	_ =	shalt  }
0x57: {  	_ =	shalt  }
0x58: {  	_ =	shalt  }
0x59: {  	_ =	shalt  }
0x5a: {  	_ =	shalt  }
0x5b: {  	_ =	shalt  }
0x5c: {  	_ =	shalt  }
0x5d: {  	_ =	shalt  }
0x5e: {  	_ =	shalt  }
0x5f: {  	_ =	shalt  }
0x60: {  	_ =	shalt  }
0x61: {  	_ =	shalt  }
0x62: {  	_ =	shalt  }
0x63: {  	_ =	shalt  }
0x64: {  	_ =	shalt  }
0x65: {  	_ =	shalt  }
0x66: {  	_ =	shalt  }
0x67: {  	_ =	shalt  }
0x68: {  	_ =	shalt  }
0x69: {  	_ =	shalt  }
0x6a: {  	_ =	shalt  }
0x6b: {  	_ =	shalt  }
0x6c: {  	_ =	shalt  }
0x6d: {  	_ =	shalt  }
0x6e: {  	_ =	shalt  }
0x6f: {  	_ =	shalt  }
0x70: {  	_ =	shalt  }
0x71: {  	_ =	shalt  }
0x72: {  	_ =	shalt  }
0x73: {  	_ =	shalt  }
0x74: {  	_ =	shalt  }
0x75: {  	_ =	shalt  }
0x76: {  	_ =	shalt  }
0x77: {  	_ =	shalt  }
0x78: {  	_ =	shalt  }
0x79: {  	_ =	shalt  }
0x7a: {  	_ =	shalt  }
0x7b: {  	_ =	shalt  }
0x7c: {  	_ =	shalt  }
0x7d: {  	_ =	shalt  }
0x7e: {  	_ =	shalt  }
0x7f: {  	_ =	shalt  }
0x80: {  	_ =	shalt  }
0x81: {  	_ =	shalt  }
0x82: {  	_ =	shalt  }
0x83: {  	_ =	shalt  }
0x84: {  	_ =	shalt  }
0x85: {  	_ =	shalt  }
0x86: {  	_ =	shalt  }
0x87: {  	_ =	shalt  }
.Lfunc_end0:
.L_simem_size_0:
called_computation.1_lowered:
.L_overlay_start_0:
0x88: {  	s2 =	sld [smem:$0x3FD9]  }
0x89: {  	s3 =	sld [smem:$0x3FFE];
	_ =	sdelay $0x1  }
0x8a: {  	s1 =	srdreg.scid  }
0x8b: {  	s0 =	sand.u32 $0x1, s1  }
0x8c: {  	s16 =	sshll.u32 s0, $0xA;
	s2 =	sadd.s32 s3, s2  }
0x8d: {  	s2 =	sadd.s32 s2, s16  }
0x8e: {  	[smem:$0x3FC2] =	sst s2  }
0x8f: {  	_ = 	snop  }
0x90: {  	(tm) =	ssettm $0x1  }
0x91: {  	s17 =	sld [smem:$0x3FFB];
	_ =	sdelay $0x3  }
0x92: {  	_ =	strace s17  }
0x93: {  	s2 =	sld [smem:$0x3FFC];
	_ =	sdelay $0x3  }
0x94: {  	_ =	strace s2  }
0x95: {  	s2 =	sld [smem:$0x3FFD];
	_ =	sdelay $0x3  }
0x96: {  	_ =	strace s2  }
0x97: {  	_ =	strace $0x8FFFFFFF  }
0x98: {  	s18 =	sld [smem:$0x3FDB];
	_ =	sdelay $0x1  }
0x99: {  	s19 =	simm.s32 $_scs_section_size  }
0x9a: {  	s4 =	simm.s32 $_size__tile_overlayer_lowered;
	s5 =	simm.s32 $_tile_overlayer_lowered  }
0x9b: {  	s22 =	simm.s32 $0x1BFF;
	s21 =	sshll.u32 s5, $0x1;
	s2 =	sadd.s32 s19, s18  }
0x9c: {  	s6 =	simm.s32 $0x0;
	s20 =	sshll.u32 s4, $0x1;
	s4 =	sadd.s32 s21, s2  }
0x9d: {  	[timem:s6], [sflag:s22] =	dma.local [hbm:s4], s20  }
0x9e: {  	_ =	swait.ge [sflag:s22], s20  }
0x9f: {  	s3 =	ssub.s32 $0x0, s20;
	[sflag:s22] =	ssyncset.done $0x0  }
0xa0: {  	[sflag:s22] =	ssyncadd.s32 s3;
	_ =	sdelay $0x1  }
0xa1: {  	s23 =	simm.s32 $0x1B8B  }
0xa2: {  	_ =	swait.ge [sflag:s23], $0x1  }
0xa3: {  	[sflag:s23] =	ssyncset.done $0x0  }
0xa4: {  	s25 =	simm.s32 $0x1B8E;
	s24 =	sld [smem:$0x3FFE];
	[sflag:s23] =	ssyncadd.s32 $0xFFFFFFFF  }
0xa5: {  	s26 =	simm.s32 $execute0_lowered;
	[smem:$0x3FD2] =	sst s25  }
0xa6: {  	s4 =	sshll.u32 s26, $0x1;
	_ =	strace $0x80000049;
	[dreg:$0x1] =	wrdreg $0xFFFFFFFF  }
0xa7: {  	s28 =	simm.s32 $_size_execute0_lowered;
	s2 =	sadd.s32 s2, s4;
	[dreg:$0x0] =	wrdreg $0x0  }
0xa8: {  	s4 =	sshll.u32 s28, $0x1;
	[dreg:$0x2] =	wrdreg s2  }
0xa9: {  	[dreg:$0x3] =	wrdreg s4  }
0xaa: {  	[dreg:$0x4] =	wrdreg $0xC0  }
0xab: {  	_ =	task [dreg:s6], $0x5FFFF  }
0xac: {  	[dreg:$0x1] =	wrdreg $0xFFFFFFFF  }
0xad: {  	[dreg:$0x0] =	wrdreg $0x60  }
0xae: {  	[dreg:$0x2] =	wrdreg s24  }
0xaf: {  	[dreg:$0x3] =	wrdreg $0x0  }
0xb0: {  	[dreg:$0x4] =	wrdreg $0x9  }
0xb1: {  	_ =	task.clear_ibuf [dreg:s6], $0x5FFFF;
	_ =	strace $0x90000049  }
0xb2: {  	s29 =	simm.s32 $0x9;
	_ =	strace $0x8000004B  }
0xb3: {  	_ =	swait.ge [sflag:s29], $0x1  }
0xb4: {  	[sflag:s29] =	ssyncadd.s32 $0xFFFFFFFF  }
0xb5: {  	_ =	strace $0x9000004B  }
0xb6: {  	_ =	sfence  }
0xb7: {  	s30 =	sld [smem:$0x0];
	_ =	sdelay $0x2  }
0xb8: {  	s31 =	sshll.u32 s1, $0xD;
	s1 =	sshrl.u32 s1, $0x2  }
0xb9: {  	s3 =	sand.u32 $0x4000, s31;
	s1 =	sadd.s32 s1, s30  }
0xba: {  	s0 =	sor.u32 s3, s0;
	s1 =	sshll.u32 s1, $0x11  }
0xbb: {  	s0 =	sor.u32 s1, s0  }
0xbc: {  	s0 =	sadd.s32 $0x8F2B, s0  }
0xbd: {  	[sflag:s0] =	ssyncadd.remote.s32 $0x1  }
0xbe: {  	_ =	sfence.sel $0xFFFF  }
0xbf: {  	[dreg:$0x0] =	wrdreg $0xFFFFFFFF;
	(pc) =	sbr.abs _section_cstart, $3  }
0xc0: {  	[dreg:$0x1] =	wrdreg $0xFFFFFFFF  }
0xc1: {  	_ =	task.clear_ibuf [dreg:s6], $0x2FFFF;
	_ =	strace $0x9FFFFFFF  }
0xc2: {  	(tm) =	ssettm $0x7FFFFFFF  }
0xc3: {  	_ =	shalt  }
tec
execute0_lowered:
.L_overlay_start_1:
0x0: {  	(tag) =	ssettag $0x1  }
0x1: {  	s5 =	rddreg [dreg:$0x0]  }
0x2: {  	s0 =	srdreg.scid;
	s2 =	rddreg [dreg:$0x1]  }
0x3: {  	s1 =	rddreg [dreg:$0x2];
	s6 =	sand.u32 $0x1, s0  }
0x4: {  	s3 =	simm.s32 $0x0;
	s0 =	stileid.u32;
	s4 =	smul.u32 $0x27100, s6  }
0x5: {  	s17 =	simm.s32 $0x14100;
	s18 =	simm.s32 $0x2;
	s7 =	smul.u32 $0x2710, s0  }
0x6: {  	s19 =	simm.s32 $0x14000;
	s20 =	simm.s32 $0x14080;
	s30 =	smul.u32 $0x140000, s6  }
0x7: {  	s21 =	simm.s32 $0x50;
	s22 =	simm.s32 $0x1;
	s8 =	smul.u32 $0x14000, s0  }
0x8: {  	[smem:$0x7FF] =	sst s3;
	s9 =	smul.u32 $0x50000, s0;
	s6 =	ssub.s32 $0x2, s6  }
0x9: {  	s23 =	simm.s32 $0x0;
	_ =	strace $0x8000004A;
	s31 =	sshrl.u32 s6, $0x1  }
0xa: {  	s4 =	sadd.s32 s7, s4;
	s7 =	sadd.s32 s8, s30;
	s9 =	sshrl.u32 s9, $0x2  }
0xb: {  	s8 =	ssub.s32 s6, s31;
	s4 =	sshrl.u32 s4, $0x3;
	s7 =	sshrl.u32 s7, $0x3  }
0xc: {  	s16 =	sadd.s32 s4, s5;
	s4 =	sadd.s32 $0x15A00, s5;
	s7 =	sadd.s32 s7, s5  }
0xd: {  	s5 =	sadd.s32 s9, s2;
	s6 =	sadd.s32 $0x3DA00, s7;
	s7 =	smax.u32 s8, $0x1  }
0xe: {  	s8 =	sadd.s32 $0x2800, s5;
	s9 =	sadd.s32 $0x5000, s5;
	s10 =	sadd.s32 $0x7800, s5  }
0xf: {  	s11 =	sadd.s32 $0xA000, s5;
	s12 =	sadd.s32 $0xC800, s5;
	s13 =	sadd.s32 $0xF000, s5  }
0x10: {  	v0 =	vimm.f32 $0.0e+00;
	s14 =	sadd.s32 $0x11800, s5;
	s15 =	sadd.s32 $0x1E00, s16;
	s16 =	sadd.s32 $0xBC00, s16  }
.LBB2_1:
0x11: {  	s24 =	sand.u32 $0xFE00, s3  }
0x12: {  	s25 =	sand.u32 $0x70, s3;
	s26 =	sshrl.u32 s24, $0x2  }
0x13: {  	s24 =	simm.s32 $0x40;
	s26 =	sor.u32 s25, s26;
	s25 =	simm.s32 $0x0  }
.LBB2_2:
0x14: {  	p0 =	sne.s32 s24, $0x9FC0  }
0x15: {  	[tilespmem:s26+$0x14100] =	vst v0;
	s25 =	sadd.s32 $0x10, s25;
	s26 =	smov.u32 s24;
	s24 =	sadd.s32 $0x40, s24  }
.Ltmp0:
0x16: {  	(pc) =	sbr.rel @p0 .LBB2_2-.Ltmp0, $4  }
0x17: {  	_ = 	snop  }
0x18: {  	s26 =	sand.u32 $0xFE00, s26  }
0x19: {  	s28 =	sand.u32 $0x70, s25;
	s26 =	sshrl.u32 s26, $0x2  }
0x1a: {  	s26 =	sor.u32 s28, s26  }
0x1b: {  	[tilespmem:s26+$0x14100] =	vst v0  }
0x1c: {  	[spmem:s5] =	stream.linear.scatter [tilespmem:s17], [sflag:$0x2], $0x2800, $0x38;
	[tilespmem:$0x16900] =	vst v63  }
0x1d: {  	_ =	swait.ge [sflag:s18], $0x2800  }
0x1e: {  	[sflag:s18] =	ssyncset.done $0x0  }
0x1f: {  	[sflag:s18] =	ssyncadd.s32 $0xFFFFD800  }
0x20: {  	[spmem:s8] =	stream.linear.scatter [tilespmem:s17], [sflag:$0x2], $0x2800, $0x38;
	[tilespmem:$0x16900] =	vst v63  }
0x21: {  	_ =	swait.ge [sflag:s18], $0x2800  }
0x22: {  	[sflag:s18] =	ssyncset.done $0x0  }
0x23: {  	[sflag:s18] =	ssyncadd.s32 $0xFFFFD800  }
0x24: {  	[spmem:s9] =	stream.linear.scatter [tilespmem:s17], [sflag:$0x2], $0x2800, $0x38;
	[tilespmem:$0x16900] =	vst v63  }
0x25: {  	_ =	swait.ge [sflag:s18], $0x2800  }
0x26: {  	[sflag:s18] =	ssyncset.done $0x0  }
0x27: {  	[sflag:s18] =	ssyncadd.s32 $0xFFFFD800  }
0x28: {  	[spmem:s10] =	stream.linear.scatter [tilespmem:s17], [sflag:$0x2], $0x2800, $0x38;
	[tilespmem:$0x16900] =	vst v63  }
0x29: {  	_ =	swait.ge [sflag:s18], $0x2800  }
0x2a: {  	[sflag:s18] =	ssyncset.done $0x0  }
0x2b: {  	[sflag:s18] =	ssyncadd.s32 $0xFFFFD800  }
0x2c: {  	[spmem:s11] =	stream.linear.scatter [tilespmem:s17], [sflag:$0x2], $0x2800, $0x38;
	[tilespmem:$0x16900] =	vst v63  }
0x2d: {  	_ =	swait.ge [sflag:s18], $0x2800  }
0x2e: {  	[sflag:s18] =	ssyncset.done $0x0  }
0x2f: {  	[sflag:s18] =	ssyncadd.s32 $0xFFFFD800  }
0x30: {  	[spmem:s12] =	stream.linear.scatter [tilespmem:s17], [sflag:$0x2], $0x2800, $0x38;
	[tilespmem:$0x16900] =	vst v63  }
0x31: {  	_ =	swait.ge [sflag:s18], $0x2800  }
0x32: {  	[sflag:s18] =	ssyncset.done $0x0  }
0x33: {  	[sflag:s18] =	ssyncadd.s32 $0xFFFFD800  }
0x34: {  	[spmem:s13] =	stream.linear.scatter [tilespmem:s17], [sflag:$0x2], $0x2800, $0x38;
	[tilespmem:$0x16900] =	vst v63  }
0x35: {  	_ =	swait.ge [sflag:s18], $0x2800  }
0x36: {  	[sflag:s18] =	ssyncset.done $0x0  }
0x37: {  	[sflag:s18] =	ssyncadd.s32 $0xFFFFD800  }
0x38: {  	[spmem:s14] =	stream.linear.scatter [tilespmem:s17], [sflag:$0x2], $0x2800, $0x38;
	[tilespmem:$0x16900] =	vst v63  }
0x39: {  	_ =	swait.ge [sflag:s18], $0x2800  }
0x3a: {  	[sflag:s18] =	ssyncset.done $0x0  }
0x3b: {  	[sflag:s18] =	ssyncadd.s32 $0xFFFFD800  }
0x3c: {  	s24 =	sadd.s32 $0x0, s16;
	[bflag:$0x0] =	sbarrier.arrive $0xFFFF  }
0x3d: {  	[tilespmem:s19], [sflag:$0x2] =	stream.linear.gather [hbm4b:s24+s3], $0x50, $0x38;
	[tilespmem:$0x16900] =	vst v63  }
0x3e: {  	_ =	swait.ge [sflag:s18], $0x50  }
0x3f: {  	[sflag:s18] =	ssyncset.done $0x0  }
0x40: {  	s31 =	sadd.s32 $0x0, s15;
	[sflag:s18] =	ssyncadd.s32 $0xFFFFFFB0  }
0x41: {  	[tilespmem:s20], [sflag:$0x2] =	stream.linear.gather [hbm4b:s31+s3], $0x50, $0x38;
	[tilespmem:$0x16900] =	vst v63  }
0x42: {  	_ =	swait.ge [sflag:s18], $0x50  }
0x43: {  	[sflag:s18] =	ssyncset.done $0x0  }
0x44: {  	[sflag:s18] =	ssyncadd.s32 $0xFFFFFFB0  }
0x45: {  	[tilespmem:s17], [sflag:$0x1] =	stream.indirect.gather [hbm4b:s4+s21], $0x80, s19, s21, $0xb8;
	[tilespmem:$0x16900] =	vst v63  }
0x46: {  	_ =	swait.ge [sflag:s22], $0x2800  }
0x47: {  	[sflag:s22] =	ssyncset.done $0x0  }
0x48: {  	[sflag:s22] =	ssyncadd.s32 $0xFFFFD800  }
0x49: {  	[spmem:s2] =	stream.indirect.scatter.add.f32 [tilespmem:s17], [sflag:$0x2], $0x80, s20, s21, $0xb8;
	[tilespmem:$0x16900] =	vst v63  }
0x4a: {  	_ =	swait.ge [sflag:s18], $0x2800  }
0x4b: {  	s25 =	simm.s32 $0x14;
	s24 =	simm.s32 $0xA;
	[sflag:s18] =	ssyncset.done $0x0  }
.LBB2_4:
0x4c: {  	s26 =	sadd.s32 s24, s16  }
0x4d: {  	[sflag:s18] =	ssyncadd.s32 $0xFFFFD800;
	s28 =	smov.u32 s25;
	s29 =	sadd.s32 $0xA, s25  }
0x4e: {  	[tilespmem:s19], [sflag:$0x2] =	stream.linear.gather [hbm4b:s26+s3], $0x50, $0x38;
	[tilespmem:$0x16900] =	vst v63  }
0x4f: {  	p0 =	sne.s32 s25, $0x4D8;
	_ =	swait.ge [sflag:s18], $0x50  }
0x50: {  	[sflag:s18] =	ssyncset.done $0x0  }
0x51: {  	s25 =	sadd.s32 s24, s15;
	s24 =	smov.u32 s28;
	[sflag:s18] =	ssyncadd.s32 $0xFFFFFFB0  }
0x52: {  	[tilespmem:s20], [sflag:$0x2] =	stream.linear.gather [hbm4b:s25+s3], $0x50, $0x38;
	[tilespmem:$0x16900] =	vst v63  }
0x53: {  	_ =	swait.ge [sflag:s18], $0x50  }
0x54: {  	[sflag:s18] =	ssyncset.done $0x0  }
0x55: {  	[sflag:s18] =	ssyncadd.s32 $0xFFFFFFB0  }
0x56: {  	[tilespmem:s17], [sflag:$0x1] =	stream.indirect.gather [hbm4b:s4+s21], $0x80, s19, s21, $0xb8;
	[tilespmem:$0x16900] =	vst v63  }
0x57: {  	_ =	swait.ge [sflag:s22], $0x2800  }
.Ltmp1:
0x58: {  	[sflag:s22] =	ssyncset.done $0x0;
	(pc) =	sbr.rel @p0 .LBB2_4-.Ltmp1, $4  }
0x59: {  	[sflag:s22] =	ssyncadd.s32 $0xFFFFD800  }
0x5a: {  	[spmem:s2] =	stream.indirect.scatter.add.f32 [tilespmem:s17], [sflag:$0x2], $0x80, s20, s21, $0xb8;
	[tilespmem:$0x16900] =	vst v63  }
0x5b: {  	_ =	swait.ge [sflag:s18], $0x2800  }
0x5c: {  	s25 =	smov.u32 s29;
	[sflag:s18] =	ssyncset.done $0x0  }
0x5d: {  	s25 =	sadd.s32 s24, s16;
	[sflag:s18] =	ssyncadd.s32 $0xFFFFD800  }
0x5e: {  	[tilespmem:s19], [sflag:$0x2] =	stream.linear.gather [hbm4b:s25+s3], $0x50, $0x38;
	[tilespmem:$0x16900] =	vst v63  }
0x5f: {  	_ =	swait.ge [sflag:s18], $0x50  }
0x60: {  	[sflag:s18] =	ssyncset.done $0x0  }
0x61: {  	s29 =	sadd.s32 s24, s15;
	[sflag:s18] =	ssyncadd.s32 $0xFFFFFFB0  }
0x62: {  	[tilespmem:s20], [sflag:$0x2] =	stream.linear.gather [hbm4b:s29+s3], $0x50, $0x38;
	[tilespmem:$0x16900] =	vst v63  }
0x63: {  	_ =	swait.ge [sflag:s18], $0x50  }
0x64: {  	[sflag:s18] =	ssyncset.done $0x0  }
0x65: {  	[sflag:s18] =	ssyncadd.s32 $0xFFFFFFB0  }
0x66: {  	[tilespmem:s17], [sflag:$0x1] =	stream.indirect.gather [hbm4b:s4+s21], $0x80, s19, s21, $0xb8;
	[tilespmem:$0x16900] =	vst v63  }
0x67: {  	_ =	swait.ge [sflag:s22], $0x2800  }
0x68: {  	[sflag:s22] =	ssyncset.done $0x0  }
0x69: {  	[sflag:s22] =	ssyncadd.s32 $0xFFFFD800  }
0x6a: {  	[spmem:s2] =	stream.indirect.scatter.add.f32 [tilespmem:s17], [sflag:$0x2], $0x80, s20, s21, $0xb8;
	[tilespmem:$0x16900] =	vst v63  }
0x6b: {  	_ =	swait.ge [sflag:s18], $0x2800  }
0x6c: {  	s30 =	sshll.u32 s0, $0x6;
	s23 =	sadd.s32 $0x1, s23;
	[sflag:s18] =	ssyncset.done $0x0  }
0x6d: {  	s31 =	sshrl.u32 s5, $0x3;
	p0 =	sne.s32 s23, s7;
	[sflag:s18] =	ssyncadd.s32 $0xFFFFD800  }
.Ltmp2:
0x6e: {  	s24 =	sor.u32 $0x1C02, s30;
	[bflag:$0x0] =	sbarrier.arrive $0xFFFF;
	(pc) =	sbr.rel @p0 .LBB2_1-.Ltmp2, $4  }
0x6f: {  	[hbm:s6], [sflag:s24] =	dma.local [spmem:s31], $0x2800  }
0x70: {  	_ =	swait.ge [sflag:s18], $0x2800  }
0x71: {  	[sflag:s18] =	ssyncset.done $0x0  }
0x72: {  	[sflag:s18] =	ssyncadd.s32 $0xFFFFD800  }
0x73: {  	_ =	sfence.sel $0x180000  }
0x74: {  	[bflag:$0x0] =	sbarrier.arrive $0xFFFF  }
0x75: {  	p0 =	sne.s32 s0, $0x0;
	_ =	strace $0x9000004A  }
0x76: {  	s0 =	sadd.s32 @!p0 $0x100000, s1;
	[bflag:$0x2] =	sbarrier.arrive $0xFFFF  }
0x77: {  	[sflag:s0] =	ssyncadd.tile.s32 @!p0 $0x1;
	_ =	shalt  }
.Lfunc_end2:
_tile_overlayer_lowered:
.L_overlay_start_2:
0x78: {  	(tag) =	ssettag $0x2  }
0x79: {  	s0 =	rddreg [dreg:$0x0];
	s2 =	stileid.u32  }
0x7a: {  	s1 =	rddreg [dreg:$0x1];
	p0 =	sne.s32 s2, $0x0  }
0x7b: {  	s3 =	rddreg [dreg:$0x2];
	[bflag:$0x3] =	sbarrier.arrive $0xFFFF;
	s2 =	simm.s32 @!p0 $0x1C02  }
0x7c: {  	[timem:s3], [sflag:s2] =	dma.local @!p0 [hbm:s0], s1  }
0x7d: {  	s0 =	simm.s32 @!p0 $0x2  }
0x7e: {  	_ =	swait.ge @!p0 [sflag:s0], s1  }
0x7f: {  	s1 =	ssub.s32 @!p0 $0x0, s1;
	[sflag:s0] =	ssyncset.done @!p0 $0x0  }
0x80: {  	[sflag:s0] =	ssyncadd.s32 @!p0 s1  }
0x81: {  	[bflag:$0x3] =	sbarrier.arrive $0xFFFF  }
0x82: {  	_ =	shalt  }

// kernel: kernel.14.cloned.1.call-start
scs
__scs_entry_jumppad:
0x0: {  	(pc) =	sbr.rel $0x88, $3  }
0x1: {  	(tag) =	ssettag $0x0;
	lr =	simm.s32 $0x1  }
0x2: {  	[smem:$0x3F9B] =	sst lr;
	_ =	strace $0xD0000000  }
0x3: {  	_ = 	snop  }
0x4: {  	_ = 	snop  }
0x5: {  	_ = 	snop  }
0x6: {  	_ = 	snop  }
0x7: {  	_ = 	snop  }
__scs_overlays_trampoline_lowered:
0x8: {  	[smem:$0x3FAA] =	sst s0  }
0x9: {  	[smem:$0x3FAB] =	sst s1  }
0xa: {  	[smem:$0x3FAC] =	sst s2  }
0xb: {  	[smem:$0x3FAD] =	sst s3  }
0xc: {  	[smem:$0x3FAE] =	sst s4  }
0xd: {  	[smem:$0x3FAF] =	sst s5  }
0xe: {  	[smem:$0x3FB0] =	sst s6  }
0xf: {  	[smem:$0x3FB1] =	sst s7  }
0x10: {  	[smem:$0x3FB2] =	sst s8  }
0x11: {  	[smem:$0x3FB3] =	sst s9;
	s0 =	simm.s32 @!p0 $0x0  }
0x12: {  	s1 =	sld [smem:$0x3F99];
	s0 =	simm.s32 @p0 $0x1  }
0x13: {  	[smem:$0x3FB4] =	sst s0;
	s0 =	simm.s32 @!p1 $0x0  }
0x14: {  	s2 =	sld [smem:$0x3F98];
	s0 =	simm.s32 @p1 $0x1  }
0x15: {  	[smem:$0x3FB5] =	sst s0;
	s0 =	simm.s32 @!p2 $0x0  }
0x16: {  	s3 =	sld [smem:$0x3FDB];
	s0 =	simm.s32 @p2 $0x1  }
0x17: {  	s4 =	simm.s32 $0x1BF5;
	[smem:$0x3FB7] =	sst s0  }
0x18: {  	s0 =	sld [smem:$0x3F9A];
	_ =	swait.ge [sflag:s4], $0x0  }
0x19: {  	s7 =	sld [smem:$0x3F9B]  }
0x1a: {  	s8 =	sadd.s32 $0xFFFFE003, lr  }
0x1b: {  	s9 =	sadd.s32 $0xFFFFFEF7, lr;
	s5 =	simm.s32 $0xFFFFFFFF;
	p2 =	slt.u32 s8, $0xFFFFF086  }
0x1c: {  	p1 =	slt.u32 s9, $0xF7A;
	s5 =	simm.s32 @!p2 $0x0  }
0x1d: {  	s5 =	simm.s32 @p1 $0x1;
	p0 =	seq.s32 s7, s2  }
0x1e: {  	s7 =	smul.u32 @!p0 $0xF7A, s2;
	p2 =	seq.s32 @!p0 s5, $0x0  }
0x1f: {  	s9 =	smul.u32 $0xF7A, s1;
	s8 =	simm.s32 @!p0 $0x1BF5;
	p2 =	por !p2, p0  }
0x20: {  	[sflag:s8] =	ssyncset.s32 @!p0 $0xFFFFF086;
	s6 =	sadd.s32 @!p0 s3, s7;
	s7 =	simm.s32 @!p0 $0x108  }
0x21: {  	s3 =	sadd.s32 s3, s9;
	s6 =	sadd.s32 @!p0 $0x88, s6;
	s7 =	simm.s32 @p2 $0x1082  }
0x22: {  	[simem:s7], [sflag:s8] =	dma.local @!p0 [hbm:s6], $0xF7A  }
0x23: {  	s9 =	sor.u32 $0xD0000000, s2;
	s6 =	simm.s32 $0x108;
	_ =	swait.ge @!p0 [sflag:s8], $0x0  }
0x24: {  	s3 =	sadd.s32 $0x88, s3;
	s6 =	simm.s32 @!p1 $0x1082;
	[sflag:s4] =	ssyncset.s32 $0xFFFFF086  }
0x25: {  	[simem:s6], [sflag:s4] =	dma.local [hbm:s3], $0xF7A  }
0x26: {  	[smem:$0x3F9B] =	sst s1;
	(tag) =	ssettag s2;
	_ =	strace s9  }
0x27: {  	s1 =	sld [smem:$0x3FAB]  }
0x28: {  	s2 =	sld [smem:$0x3FAC]  }
0x29: {  	s4 =	sld [smem:$0x3FAE]  }
0x2a: {  	p0 =	seq.s32 s5, $0x0;
	s5 =	sld [smem:$0x3FAF]  }
0x2b: {  	s6 =	sld [smem:$0x3FB0]  }
0x2c: {  	s7 =	sld [smem:$0x3FB1]  }
0x2d: {  	s3 =	simm.s32 $0x108;
	s8 =	sld [smem:$0x3FB2]  }
0x2e: {  	s3 =	simm.s32 @!p0 $0x1082;
	s9 =	sld [smem:$0x3FB3]  }
0x2f: {  	lr =	sadd.s32 s0, s3;
	s0 =	sld [smem:$0x3FAA]  }
0x30: {  	s3 =	sld [smem:$0x3FAD]  }
0x31: {  	[smem:$0x3FB6] =	sst s10  }
0x32: {  	s10 =	sld [smem:$0x3FB4];
	_ =	sdelay $0x3  }
0x33: {  	p0 =	seq.s32 s10, $0x1;
	s10 =	sld [smem:$0x3FB6];
	_ =	sdelay $0x3  }
0x34: {  	[smem:$0x3FB6] =	sst s10  }
0x35: {  	s10 =	sld [smem:$0x3FB5];
	_ =	sdelay $0x3  }
0x36: {  	p1 =	seq.s32 s10, $0x1;
	s10 =	sld [smem:$0x3FB6];
	_ =	sdelay $0x3  }
0x37: {  	[smem:$0x3FB6] =	sst s10  }
0x38: {  	s10 =	sld [smem:$0x3FB7]  }
0x39: {  	_ = 	snop;
	(pc) =	sbr.ind lr, $3  }
0x3a: {  	_ = 	snop  }
0x3b: {  	_ = 	snop  }
0x3c: {  	p2 =	seq.s32 s10, $0x1;
	s10 =	sld [smem:$0x3FB6]  }
0x3d: {  	_ =	shalt  }
0x3e: {  	_ =	shalt  }
0x3f: {  	_ =	shalt  }
0x40: {  	_ =	shalt  }
0x41: {  	_ =	shalt  }
0x42: {  	_ =	shalt  }
0x43: {  	_ =	shalt  }
0x44: {  	_ =	shalt  }
0x45: {  	_ =	shalt  }
0x46: {  	_ =	shalt  }
0x47: {  	_ =	shalt  }
0x48: {  	_ =	shalt  }
0x49: {  	_ =	shalt  }
0x4a: {  	_ =	shalt  }
0x4b: {  	_ =	shalt  }
0x4c: {  	_ =	shalt  }
0x4d: {  	_ =	shalt  }
0x4e: {  	_ =	shalt  }
0x4f: {  	_ =	shalt  }
0x50: {  	_ =	shalt  }
0x51: {  	_ =	shalt  }
0x52: {  	_ =	shalt  }
0x53: {  	_ =	shalt  }
0x54: {  	_ =	shalt  }
0x55: {  	_ =	shalt  }
0x56: {  	_ =	shalt  }
0x57: {  	_ =	shalt  }
0x58: {  	_ =	shalt  }
0x59: {  	_ =	shalt  }
0x5a: {  	_ =	shalt  }
0x5b: {  	_ =	shalt  }
0x5c: {  	_ =	shalt  }
0x5d: {  	_ =	shalt  }
0x5e: {  	_ =	shalt  }
0x5f: {  	_ =	shalt  }
0x60: {  	_ =	shalt  }
0x61: {  	_ =	shalt  }
0x62: {  	_ =	shalt  }
0x63: {  	_ =	shalt  }
0x64: {  	_ =	shalt  }
0x65: {  	_ =	shalt  }
0x66: {  	_ =	shalt  }
0x67: {  	_ =	shalt  }
0x68: {  	_ =	shalt  }
0x69: {  	_ =	shalt  }
0x6a: {  	_ =	shalt  }
0x6b: {  	_ =	shalt  }
0x6c: {  	_ =	shalt  }
0x6d: {  	_ =	shalt  }
0x6e: {  	_ =	shalt  }
0x6f: {  	_ =	shalt  }
0x70: {  	_ =	shalt  }
0x71: {  	_ =	shalt  }
0x72: {  	_ =	shalt  }
0x73: {  	_ =	shalt  }
0x74: {  	_ =	shalt  }
0x75: {  	_ =	shalt  }
0x76: {  	_ =	shalt  }
0x77: {  	_ =	shalt  }
0x78: {  	_ =	shalt  }
0x79: {  	_ =	shalt  }
0x7a: {  	_ =	shalt  }
0x7b: {  	_ =	shalt  }
0x7c: {  	_ =	shalt  }
0x7d: {  	_ =	shalt  }
0x7e: {  	_ =	shalt  }
0x7f: {  	_ =	shalt  }
0x80: {  	_ =	shalt  }
0x81: {  	_ =	shalt  }
0x82: {  	_ =	shalt  }
0x83: {  	_ =	shalt  }
0x84: {  	_ =	shalt  }
0x85: {  	_ =	shalt  }
0x86: {  	_ =	shalt  }
0x87: {  	_ =	shalt  }
.Lfunc_end0:
.L_simem_size_0:
called_computation.2_lowered:
.L_overlay_start_0:
0x88: {  	s2 =	sld [smem:$0x3FD9]  }
0x89: {  	s3 =	sld [smem:$0x3FFE];
	_ =	sdelay $0x1  }
0x8a: {  	s1 =	srdreg.scid  }
0x8b: {  	s0 =	sand.u32 $0x1, s1  }
0x8c: {  	s16 =	sshll.u32 s0, $0xA;
	s2 =	sadd.s32 s3, s2  }
0x8d: {  	s2 =	sadd.s32 s2, s16  }
0x8e: {  	[smem:$0x3FC2] =	sst s2  }
0x8f: {  	_ = 	snop  }
0x90: {  	(tm) =	ssettm $0x1  }
0x91: {  	s17 =	sld [smem:$0x3FFB];
	_ =	sdelay $0x3  }
0x92: {  	_ =	strace s17  }
0x93: {  	s2 =	sld [smem:$0x3FFC];
	_ =	sdelay $0x3  }
0x94: {  	_ =	strace s2  }
0x95: {  	s2 =	sld [smem:$0x3FFD];
	_ =	sdelay $0x3  }
0x96: {  	_ =	strace s2  }
0x97: {  	_ =	strace $0x8FFFFFFF  }
0x98: {  	s18 =	sld [smem:$0x3FDB];
	_ =	sdelay $0x1  }
0x99: {  	s19 =	simm.s32 $_scs_section_size  }
0x9a: {  	s4 =	simm.s32 $_size__tile_overlayer_lowered;
	s5 =	simm.s32 $_tile_overlayer_lowered  }
0x9b: {  	s22 =	simm.s32 $0x1BFF;
	s21 =	sshll.u32 s5, $0x1;
	s2 =	sadd.s32 s19, s18  }
0x9c: {  	s6 =	simm.s32 $0x0;
	s20 =	sshll.u32 s4, $0x1;
	s4 =	sadd.s32 s21, s2  }
0x9d: {  	[timem:s6], [sflag:s22] =	dma.local [hbm:s4], s20  }
0x9e: {  	_ =	swait.ge [sflag:s22], s20  }
0x9f: {  	s3 =	ssub.s32 $0x0, s20;
	[sflag:s22] =	ssyncset.done $0x0  }
0xa0: {  	[sflag:s22] =	ssyncadd.s32 s3;
	_ =	sdelay $0x1  }
0xa1: {  	s23 =	simm.s32 $0x1B8B  }
0xa2: {  	_ =	swait.ge [sflag:s23], $0x1  }
0xa3: {  	[sflag:s23] =	ssyncset.done $0x0  }
0xa4: {  	s25 =	simm.s32 $0x1B8E;
	s24 =	sld [smem:$0x3FFE];
	[sflag:s23] =	ssyncadd.s32 $0xFFFFFFFF  }
0xa5: {  	s26 =	simm.s32 $execute0_lowered;
	[smem:$0x3FD2] =	sst s25  }
0xa6: {  	s4 =	sshll.u32 s26, $0x1;
	_ =	strace $0x8000004C;
	[dreg:$0x1] =	wrdreg $0xFFFFFFFF  }
0xa7: {  	s28 =	simm.s32 $_size_execute0_lowered;
	s2 =	sadd.s32 s2, s4;
	[dreg:$0x0] =	wrdreg $0x0  }
0xa8: {  	s4 =	sshll.u32 s28, $0x1;
	[dreg:$0x2] =	wrdreg s2  }
0xa9: {  	[dreg:$0x3] =	wrdreg s4  }
0xaa: {  	[dreg:$0x4] =	wrdreg $0xC0  }
0xab: {  	_ =	task [dreg:s6], $0x5FFFF  }
0xac: {  	[dreg:$0x1] =	wrdreg $0xFFFFFFFF  }
0xad: {  	[dreg:$0x0] =	wrdreg $0x60  }
0xae: {  	[dreg:$0x2] =	wrdreg s24  }
0xaf: {  	[dreg:$0x3] =	wrdreg $0x0  }
0xb0: {  	[dreg:$0x4] =	wrdreg $0x9  }
0xb1: {  	_ =	task.clear_ibuf [dreg:s6], $0x5FFFF;
	_ =	strace $0x9000004C  }
0xb2: {  	s29 =	simm.s32 $0x9;
	_ =	strace $0x8000004E  }
0xb3: {  	_ =	swait.ge [sflag:s29], $0x1  }
0xb4: {  	[sflag:s29] =	ssyncadd.s32 $0xFFFFFFFF  }
0xb5: {  	_ =	strace $0x9000004E  }
0xb6: {  	_ =	sfence  }
0xb7: {  	s30 =	sld [smem:$0x0];
	_ =	sdelay $0x2  }
0xb8: {  	s31 =	sshll.u32 s1, $0xD;
	s1 =	sshrl.u32 s1, $0x2  }
0xb9: {  	s3 =	sand.u32 $0x4000, s31;
	s1 =	sadd.s32 s1, s30  }
0xba: {  	s0 =	sor.u32 s3, s0;
	s1 =	sshll.u32 s1, $0x11  }
0xbb: {  	s0 =	sor.u32 s1, s0  }
0xbc: {  	s0 =	sadd.s32 $0x8F2B, s0  }
0xbd: {  	[sflag:s0] =	ssyncadd.remote.s32 $0x1  }
0xbe: {  	_ =	sfence.sel $0xFFFF  }
0xbf: {  	[dreg:$0x0] =	wrdreg $0xFFFFFFFF;
	(pc) =	sbr.abs _section_cstart, $3  }
0xc0: {  	[dreg:$0x1] =	wrdreg $0xFFFFFFFF  }
0xc1: {  	_ =	task.clear_ibuf [dreg:s6], $0x2FFFF;
	_ =	strace $0x9FFFFFFF  }
0xc2: {  	(tm) =	ssettm $0x7FFFFFFF  }
0xc3: {  	_ =	shalt  }
tec
execute0_lowered:
.L_overlay_start_1:
0x0: {  	(tag) =	ssettag $0x1  }
0x1: {  	s5 =	rddreg [dreg:$0x0]  }
0x2: {  	s0 =	srdreg.scid;
	s2 =	rddreg [dreg:$0x1]  }
0x3: {  	s1 =	rddreg [dreg:$0x2];
	s6 =	sand.u32 $0x1, s0  }
0x4: {  	s3 =	simm.s32 $0x0;
	s0 =	stileid.u32;
	s4 =	smul.u32 $0x27100, s6  }
0x5: {  	s17 =	simm.s32 $0x14100;
	s18 =	simm.s32 $0x2;
	s7 =	smul.u32 $0x2710, s0  }
0x6: {  	s19 =	simm.s32 $0x14000;
	s20 =	simm.s32 $0x14080;
	s30 =	smul.u32 $0x140000, s6  }
0x7: {  	s21 =	simm.s32 $0x50;
	s22 =	simm.s32 $0x1;
	s8 =	smul.u32 $0x14000, s0  }
0x8: {  	[smem:$0x7FF] =	sst s3;
	s9 =	smul.u32 $0x50000, s0;
	s6 =	ssub.s32 $0x2, s6  }
0x9: {  	s23 =	simm.s32 $0x0;
	_ =	strace $0x8000004D;
	s31 =	sshrl.u32 s6, $0x1  }
0xa: {  	s4 =	sadd.s32 s7, s4;
	s7 =	sadd.s32 s8, s30;
	s9 =	sshrl.u32 s9, $0x2  }
0xb: {  	s8 =	ssub.s32 s6, s31;
	s4 =	sshrl.u32 s4, $0x3;
	s7 =	sshrl.u32 s7, $0x3  }
0xc: {  	s16 =	sadd.s32 s4, s5;
	s4 =	sadd.s32 $0x15A00, s5;
	s7 =	sadd.s32 s7, s5  }
0xd: {  	s5 =	sadd.s32 s9, s2;
	s6 =	sadd.s32 $0x3DA00, s7;
	s7 =	smax.u32 s8, $0x1  }
0xe: {  	s8 =	sadd.s32 $0x2800, s5;
	s9 =	sadd.s32 $0x5000, s5;
	s10 =	sadd.s32 $0x7800, s5  }
0xf: {  	s11 =	sadd.s32 $0xA000, s5;
	s12 =	sadd.s32 $0xC800, s5;
	s13 =	sadd.s32 $0xF000, s5  }
0x10: {  	v0 =	vimm.f32 $0.0e+00;
	s14 =	sadd.s32 $0x11800, s5;
	s15 =	sadd.s32 $0x1E00, s16;
	s16 =	sadd.s32 $0xBC00, s16  }
.LBB2_1:
0x11: {  	s24 =	sand.u32 $0xFE00, s3  }
0x12: {  	s25 =	sand.u32 $0x70, s3;
	s26 =	sshrl.u32 s24, $0x2  }
0x13: {  	s24 =	simm.s32 $0x40;
	s26 =	sor.u32 s25, s26;
	s25 =	simm.s32 $0x0  }
.LBB2_2:
0x14: {  	p0 =	sne.s32 s24, $0x9FC0  }
0x15: {  	[tilespmem:s26+$0x14100] =	vst v0;
	s25 =	sadd.s32 $0x10, s25;
	s26 =	smov.u32 s24;
	s24 =	sadd.s32 $0x40, s24  }
.Ltmp0:
0x16: {  	(pc) =	sbr.rel @p0 .LBB2_2-.Ltmp0, $4  }
0x17: {  	_ = 	snop  }
0x18: {  	s26 =	sand.u32 $0xFE00, s26  }
0x19: {  	s28 =	sand.u32 $0x70, s25;
	s26 =	sshrl.u32 s26, $0x2  }
0x1a: {  	s26 =	sor.u32 s28, s26  }
0x1b: {  	[tilespmem:s26+$0x14100] =	vst v0  }
0x1c: {  	[spmem:s5] =	stream.linear.scatter [tilespmem:s17], [sflag:$0x2], $0x2800, $0x38;
	[tilespmem:$0x16900] =	vst v63  }
0x1d: {  	_ =	swait.ge [sflag:s18], $0x2800  }
0x1e: {  	[sflag:s18] =	ssyncset.done $0x0  }
0x1f: {  	[sflag:s18] =	ssyncadd.s32 $0xFFFFD800  }
0x20: {  	[spmem:s8] =	stream.linear.scatter [tilespmem:s17], [sflag:$0x2], $0x2800, $0x38;
	[tilespmem:$0x16900] =	vst v63  }
0x21: {  	_ =	swait.ge [sflag:s18], $0x2800  }
0x22: {  	[sflag:s18] =	ssyncset.done $0x0  }
0x23: {  	[sflag:s18] =	ssyncadd.s32 $0xFFFFD800  }
0x24: {  	[spmem:s9] =	stream.linear.scatter [tilespmem:s17], [sflag:$0x2], $0x2800, $0x38;
	[tilespmem:$0x16900] =	vst v63  }
0x25: {  	_ =	swait.ge [sflag:s18], $0x2800  }
0x26: {  	[sflag:s18] =	ssyncset.done $0x0  }
0x27: {  	[sflag:s18] =	ssyncadd.s32 $0xFFFFD800  }
0x28: {  	[spmem:s10] =	stream.linear.scatter [tilespmem:s17], [sflag:$0x2], $0x2800, $0x38;
	[tilespmem:$0x16900] =	vst v63  }
0x29: {  	_ =	swait.ge [sflag:s18], $0x2800  }
0x2a: {  	[sflag:s18] =	ssyncset.done $0x0  }
0x2b: {  	[sflag:s18] =	ssyncadd.s32 $0xFFFFD800  }
0x2c: {  	[spmem:s11] =	stream.linear.scatter [tilespmem:s17], [sflag:$0x2], $0x2800, $0x38;
	[tilespmem:$0x16900] =	vst v63  }
0x2d: {  	_ =	swait.ge [sflag:s18], $0x2800  }
0x2e: {  	[sflag:s18] =	ssyncset.done $0x0  }
0x2f: {  	[sflag:s18] =	ssyncadd.s32 $0xFFFFD800  }
0x30: {  	[spmem:s12] =	stream.linear.scatter [tilespmem:s17], [sflag:$0x2], $0x2800, $0x38;
	[tilespmem:$0x16900] =	vst v63  }
0x31: {  	_ =	swait.ge [sflag:s18], $0x2800  }
0x32: {  	[sflag:s18] =	ssyncset.done $0x0  }
0x33: {  	[sflag:s18] =	ssyncadd.s32 $0xFFFFD800  }
0x34: {  	[spmem:s13] =	stream.linear.scatter [tilespmem:s17], [sflag:$0x2], $0x2800, $0x38;
	[tilespmem:$0x16900] =	vst v63  }
0x35: {  	_ =	swait.ge [sflag:s18], $0x2800  }
0x36: {  	[sflag:s18] =	ssyncset.done $0x0  }
0x37: {  	[sflag:s18] =	ssyncadd.s32 $0xFFFFD800  }
0x38: {  	[spmem:s14] =	stream.linear.scatter [tilespmem:s17], [sflag:$0x2], $0x2800, $0x38;
	[tilespmem:$0x16900] =	vst v63  }
0x39: {  	_ =	swait.ge [sflag:s18], $0x2800  }
0x3a: {  	[sflag:s18] =	ssyncset.done $0x0  }
0x3b: {  	[sflag:s18] =	ssyncadd.s32 $0xFFFFD800  }
0x3c: {  	s24 =	sadd.s32 $0x0, s16;
	[bflag:$0x0] =	sbarrier.arrive $0xFFFF  }
0x3d: {  	[tilespmem:s19], [sflag:$0x2] =	stream.linear.gather [hbm4b:s24+s3], $0x50, $0x38;
	[tilespmem:$0x16900] =	vst v63  }
0x3e: {  	_ =	swait.ge [sflag:s18], $0x50  }
0x3f: {  	[sflag:s18] =	ssyncset.done $0x0  }
0x40: {  	s31 =	sadd.s32 $0x0, s15;
	[sflag:s18] =	ssyncadd.s32 $0xFFFFFFB0  }
0x41: {  	[tilespmem:s20], [sflag:$0x2] =	stream.linear.gather [hbm4b:s31+s3], $0x50, $0x38;
	[tilespmem:$0x16900] =	vst v63  }
0x42: {  	_ =	swait.ge [sflag:s18], $0x50  }
0x43: {  	[sflag:s18] =	ssyncset.done $0x0  }
0x44: {  	[sflag:s18] =	ssyncadd.s32 $0xFFFFFFB0  }
0x45: {  	[tilespmem:s17], [sflag:$0x1] =	stream.indirect.gather [hbm4b:s4+s21], $0x80, s19, s21, $0xb8;
	[tilespmem:$0x16900] =	vst v63  }
0x46: {  	_ =	swait.ge [sflag:s22], $0x2800  }
0x47: {  	[sflag:s22] =	ssyncset.done $0x0  }
0x48: {  	[sflag:s22] =	ssyncadd.s32 $0xFFFFD800  }
0x49: {  	[spmem:s2] =	stream.indirect.scatter.add.f32 [tilespmem:s17], [sflag:$0x2], $0x80, s20, s21, $0xb8;
	[tilespmem:$0x16900] =	vst v63  }
0x4a: {  	_ =	swait.ge [sflag:s18], $0x2800  }
0x4b: {  	s25 =	simm.s32 $0x14;
	s24 =	simm.s32 $0xA;
	[sflag:s18] =	ssyncset.done $0x0  }
.LBB2_4:
0x4c: {  	s26 =	sadd.s32 s24, s16  }
0x4d: {  	[sflag:s18] =	ssyncadd.s32 $0xFFFFD800;
	s28 =	smov.u32 s25;
	s29 =	sadd.s32 $0xA, s25  }
0x4e: {  	[tilespmem:s19], [sflag:$0x2] =	stream.linear.gather [hbm4b:s26+s3], $0x50, $0x38;
	[tilespmem:$0x16900] =	vst v63  }
0x4f: {  	p0 =	sne.s32 s25, $0x4D8;
	_ =	swait.ge [sflag:s18], $0x50  }
0x50: {  	[sflag:s18] =	ssyncset.done $0x0  }
0x51: {  	s25 =	sadd.s32 s24, s15;
	s24 =	smov.u32 s28;
	[sflag:s18] =	ssyncadd.s32 $0xFFFFFFB0  }
0x52: {  	[tilespmem:s20], [sflag:$0x2] =	stream.linear.gather [hbm4b:s25+s3], $0x50, $0x38;
	[tilespmem:$0x16900] =	vst v63  }
0x53: {  	_ =	swait.ge [sflag:s18], $0x50  }
0x54: {  	[sflag:s18] =	ssyncset.done $0x0  }
0x55: {  	[sflag:s18] =	ssyncadd.s32 $0xFFFFFFB0  }
0x56: {  	[tilespmem:s17], [sflag:$0x1] =	stream.indirect.gather [hbm4b:s4+s21], $0x80, s19, s21, $0xb8;
	[tilespmem:$0x16900] =	vst v63  }
0x57: {  	_ =	swait.ge [sflag:s22], $0x2800  }
.Ltmp1:
0x58: {  	[sflag:s22] =	ssyncset.done $0x0;
	(pc) =	sbr.rel @p0 .LBB2_4-.Ltmp1, $4  }
0x59: {  	[sflag:s22] =	ssyncadd.s32 $0xFFFFD800  }
0x5a: {  	[spmem:s2] =	stream.indirect.scatter.add.f32 [tilespmem:s17], [sflag:$0x2], $0x80, s20, s21, $0xb8;
	[tilespmem:$0x16900] =	vst v63  }
0x5b: {  	_ =	swait.ge [sflag:s18], $0x2800  }
0x5c: {  	s25 =	smov.u32 s29;
	[sflag:s18] =	ssyncset.done $0x0  }
0x5d: {  	s25 =	sadd.s32 s24, s16;
	[sflag:s18] =	ssyncadd.s32 $0xFFFFD800  }
0x5e: {  	[tilespmem:s19], [sflag:$0x2] =	stream.linear.gather [hbm4b:s25+s3], $0x50, $0x38;
	[tilespmem:$0x16900] =	vst v63  }
0x5f: {  	_ =	swait.ge [sflag:s18], $0x50  }
0x60: {  	[sflag:s18] =	ssyncset.done $0x0  }
0x61: {  	s29 =	sadd.s32 s24, s15;
	[sflag:s18] =	ssyncadd.s32 $0xFFFFFFB0  }
0x62: {  	[tilespmem:s20], [sflag:$0x2] =	stream.linear.gather [hbm4b:s29+s3], $0x50, $0x38;
	[tilespmem:$0x16900] =	vst v63  }
0x63: {  	_ =	swait.ge [sflag:s18], $0x50  }
0x64: {  	[sflag:s18] =	ssyncset.done $0x0  }
0x65: {  	[sflag:s18] =	ssyncadd.s32 $0xFFFFFFB0  }
0x66: {  	[tilespmem:s17], [sflag:$0x1] =	stream.indirect.gather [hbm4b:s4+s21], $0x80, s19, s21, $0xb8;
	[tilespmem:$0x16900] =	vst v63  }
0x67: {  	_ =	swait.ge [sflag:s22], $0x2800  }
0x68: {  	[sflag:s22] =	ssyncset.done $0x0  }
0x69: {  	[sflag:s22] =	ssyncadd.s32 $0xFFFFD800  }
0x6a: {  	[spmem:s2] =	stream.indirect.scatter.add.f32 [tilespmem:s17], [sflag:$0x2], $0x80, s20, s21, $0xb8;
	[tilespmem:$0x16900] =	vst v63  }
0x6b: {  	_ =	swait.ge [sflag:s18], $0x2800  }
0x6c: {  	s30 =	sshll.u32 s0, $0x6;
	s23 =	sadd.s32 $0x1, s23;
	[sflag:s18] =	ssyncset.done $0x0  }
0x6d: {  	s31 =	sshrl.u32 s5, $0x3;
	p0 =	sne.s32 s23, s7;
	[sflag:s18] =	ssyncadd.s32 $0xFFFFD800  }
.Ltmp2:
0x6e: {  	s24 =	sor.u32 $0x1C02, s30;
	[bflag:$0x0] =	sbarrier.arrive $0xFFFF;
	(pc) =	sbr.rel @p0 .LBB2_1-.Ltmp2, $4  }
0x6f: {  	[hbm:s6], [sflag:s24] =	dma.local [spmem:s31], $0x2800  }
0x70: {  	_ =	swait.ge [sflag:s18], $0x2800  }
0x71: {  	[sflag:s18] =	ssyncset.done $0x0  }
0x72: {  	[sflag:s18] =	ssyncadd.s32 $0xFFFFD800  }
0x73: {  	_ =	sfence.sel $0x180000  }
0x74: {  	[bflag:$0x0] =	sbarrier.arrive $0xFFFF  }
0x75: {  	p0 =	sne.s32 s0, $0x0;
	_ =	strace $0x9000004D  }
0x76: {  	s0 =	sadd.s32 @!p0 $0x100000, s1;
	[bflag:$0x2] =	sbarrier.arrive $0xFFFF  }
0x77: {  	[sflag:s0] =	ssyncadd.tile.s32 @!p0 $0x1;
	_ =	shalt  }
.Lfunc_end2:
_tile_overlayer_lowered:
.L_overlay_start_2:
0x78: {  	(tag) =	ssettag $0x2  }
0x79: {  	s0 =	rddreg [dreg:$0x0];
	s2 =	stileid.u32  }
0x7a: {  	s1 =	rddreg [dreg:$0x1];
	p0 =	sne.s32 s2, $0x0  }
0x7b: {  	s3 =	rddreg [dreg:$0x2];
	[bflag:$0x3] =	sbarrier.arrive $0xFFFF;
	s2 =	simm.s32 @!p0 $0x1C02  }
0x7c: {  	[timem:s3], [sflag:s2] =	dma.local @!p0 [hbm:s0], s1  }
0x7d: {  	s0 =	simm.s32 @!p0 $0x2  }
0x7e: {  	_ =	swait.ge @!p0 [sflag:s0], s1  }
0x7f: {  	s1 =	ssub.s32 @!p0 $0x0, s1;
	[sflag:s0] =	ssyncset.done @!p0 $0x0  }
0x80: {  	[sflag:s0] =	ssyncadd.s32 @!p0 s1  }
0x81: {  	[bflag:$0x3] =	sbarrier.arrive $0xFFFF  }
0x82: {  	_ =	shalt  }

// kernel: kernel.8.cloned.1.call-start
scs
__scs_entry_jumppad:
0x0: {  	(pc) =	sbr.rel $0x88, $3  }
0x1: {  	(tag) =	ssettag $0x0;
	lr =	simm.s32 $0x1  }
0x2: {  	[smem:$0x3F9B] =	sst lr;
	_ =	strace $0xD0000000  }
0x3: {  	_ = 	snop  }
0x4: {  	_ = 	snop  }
0x5: {  	_ = 	snop  }
0x6: {  	_ = 	snop  }
0x7: {  	_ = 	snop  }
__scs_overlays_trampoline_lowered:
0x8: {  	[smem:$0x3FAA] =	sst s0  }
0x9: {  	[smem:$0x3FAB] =	sst s1  }
0xa: {  	[smem:$0x3FAC] =	sst s2  }
0xb: {  	[smem:$0x3FAD] =	sst s3  }
0xc: {  	[smem:$0x3FAE] =	sst s4  }
0xd: {  	[smem:$0x3FAF] =	sst s5  }
0xe: {  	[smem:$0x3FB0] =	sst s6  }
0xf: {  	[smem:$0x3FB1] =	sst s7  }
0x10: {  	[smem:$0x3FB2] =	sst s8  }
0x11: {  	[smem:$0x3FB3] =	sst s9;
	s0 =	simm.s32 @!p0 $0x0  }
0x12: {  	s1 =	sld [smem:$0x3F99];
	s0 =	simm.s32 @p0 $0x1  }
0x13: {  	[smem:$0x3FB4] =	sst s0;
	s0 =	simm.s32 @!p1 $0x0  }
0x14: {  	s2 =	sld [smem:$0x3F98];
	s0 =	simm.s32 @p1 $0x1  }
0x15: {  	[smem:$0x3FB5] =	sst s0;
	s0 =	simm.s32 @!p2 $0x0  }
0x16: {  	s3 =	sld [smem:$0x3FDB];
	s0 =	simm.s32 @p2 $0x1  }
0x17: {  	s4 =	simm.s32 $0x1BF5;
	[smem:$0x3FB7] =	sst s0  }
0x18: {  	s0 =	sld [smem:$0x3F9A];
	_ =	swait.ge [sflag:s4], $0x0  }
0x19: {  	s7 =	sld [smem:$0x3F9B]  }
0x1a: {  	s8 =	sadd.s32 $0xFFFFE003, lr  }
0x1b: {  	s9 =	sadd.s32 $0xFFFFFEF7, lr;
	s5 =	simm.s32 $0xFFFFFFFF;
	p2 =	slt.u32 s8, $0xFFFFF086  }
0x1c: {  	p1 =	slt.u32 s9, $0xF7A;
	s5 =	simm.s32 @!p2 $0x0  }
0x1d: {  	s5 =	simm.s32 @p1 $0x1;
	p0 =	seq.s32 s7, s2  }
0x1e: {  	s7 =	smul.u32 @!p0 $0xF7A, s2;
	p2 =	seq.s32 @!p0 s5, $0x0  }
0x1f: {  	s9 =	smul.u32 $0xF7A, s1;
	s8 =	simm.s32 @!p0 $0x1BF5;
	p2 =	por !p2, p0  }
0x20: {  	[sflag:s8] =	ssyncset.s32 @!p0 $0xFFFFF086;
	s6 =	sadd.s32 @!p0 s3, s7;
	s7 =	simm.s32 @!p0 $0x108  }
0x21: {  	s3 =	sadd.s32 s3, s9;
	s6 =	sadd.s32 @!p0 $0x88, s6;
	s7 =	simm.s32 @p2 $0x1082  }
0x22: {  	[simem:s7], [sflag:s8] =	dma.local @!p0 [hbm:s6], $0xF7A  }
0x23: {  	s9 =	sor.u32 $0xD0000000, s2;
	s6 =	simm.s32 $0x108;
	_ =	swait.ge @!p0 [sflag:s8], $0x0  }
0x24: {  	s3 =	sadd.s32 $0x88, s3;
	s6 =	simm.s32 @!p1 $0x1082;
	[sflag:s4] =	ssyncset.s32 $0xFFFFF086  }
0x25: {  	[simem:s6], [sflag:s4] =	dma.local [hbm:s3], $0xF7A  }
0x26: {  	[smem:$0x3F9B] =	sst s1;
	(tag) =	ssettag s2;
	_ =	strace s9  }
0x27: {  	s1 =	sld [smem:$0x3FAB]  }
0x28: {  	s2 =	sld [smem:$0x3FAC]  }
0x29: {  	s4 =	sld [smem:$0x3FAE]  }
0x2a: {  	p0 =	seq.s32 s5, $0x0;
	s5 =	sld [smem:$0x3FAF]  }
0x2b: {  	s6 =	sld [smem:$0x3FB0]  }
0x2c: {  	s7 =	sld [smem:$0x3FB1]  }
0x2d: {  	s3 =	simm.s32 $0x108;
	s8 =	sld [smem:$0x3FB2]  }
0x2e: {  	s3 =	simm.s32 @!p0 $0x1082;
	s9 =	sld [smem:$0x3FB3]  }
0x2f: {  	lr =	sadd.s32 s0, s3;
	s0 =	sld [smem:$0x3FAA]  }
0x30: {  	s3 =	sld [smem:$0x3FAD]  }
0x31: {  	[smem:$0x3FB6] =	sst s10  }
0x32: {  	s10 =	sld [smem:$0x3FB4];
	_ =	sdelay $0x3  }
0x33: {  	p0 =	seq.s32 s10, $0x1;
	s10 =	sld [smem:$0x3FB6];
	_ =	sdelay $0x3  }
0x34: {  	[smem:$0x3FB6] =	sst s10  }
0x35: {  	s10 =	sld [smem:$0x3FB5];
	_ =	sdelay $0x3  }
0x36: {  	p1 =	seq.s32 s10, $0x1;
	s10 =	sld [smem:$0x3FB6];
	_ =	sdelay $0x3  }
0x37: {  	[smem:$0x3FB6] =	sst s10  }
0x38: {  	s10 =	sld [smem:$0x3FB7]  }
0x39: {  	_ = 	snop;
	(pc) =	sbr.ind lr, $3  }
0x3a: {  	_ = 	snop  }
0x3b: {  	_ = 	snop  }
0x3c: {  	p2 =	seq.s32 s10, $0x1;
	s10 =	sld [smem:$0x3FB6]  }
0x3d: {  	_ =	shalt  }
0x3e: {  	_ =	shalt  }
0x3f: {  	_ =	shalt  }
0x40: {  	_ =	shalt  }
0x41: {  	_ =	shalt  }
0x42: {  	_ =	shalt  }
0x43: {  	_ =	shalt  }
0x44: {  	_ =	shalt  }
0x45: {  	_ =	shalt  }
0x46: {  	_ =	shalt  }
0x47: {  	_ =	shalt  }
0x48: {  	_ =	shalt  }
0x49: {  	_ =	shalt  }
0x4a: {  	_ =	shalt  }
0x4b: {  	_ =	shalt  }
0x4c: {  	_ =	shalt  }
0x4d: {  	_ =	shalt  }
0x4e: {  	_ =	shalt  }
0x4f: {  	_ =	shalt  }
0x50: {  	_ =	shalt  }
0x51: {  	_ =	shalt  }
0x52: {  	_ =	shalt  }
0x53: {  	_ =	shalt  }
0x54: {  	_ =	shalt  }
0x55: {  	_ =	shalt  }
0x56: {  	_ =	shalt  }
0x57: {  	_ =	shalt  }
0x58: {  	_ =	shalt  }
0x59: {  	_ =	shalt  }
0x5a: {  	_ =	shalt  }
0x5b: {  	_ =	shalt  }
0x5c: {  	_ =	shalt  }
0x5d: {  	_ =	shalt  }
0x5e: {  	_ =	shalt  }
0x5f: {  	_ =	shalt  }
0x60: {  	_ =	shalt  }
0x61: {  	_ =	shalt  }
0x62: {  	_ =	shalt  }
0x63: {  	_ =	shalt  }
0x64: {  	_ =	shalt  }
0x65: {  	_ =	shalt  }
0x66: {  	_ =	shalt  }
0x67: {  	_ =	shalt  }
0x68: {  	_ =	shalt  }
0x69: {  	_ =	shalt  }
0x6a: {  	_ =	shalt  }
0x6b: {  	_ =	shalt  }
0x6c: {  	_ =	shalt  }
0x6d: {  	_ =	shalt  }
0x6e: {  	_ =	shalt  }
0x6f: {  	_ =	shalt  }
0x70: {  	_ =	shalt  }
0x71: {  	_ =	shalt  }
0x72: {  	_ =	shalt  }
0x73: {  	_ =	shalt  }
0x74: {  	_ =	shalt  }
0x75: {  	_ =	shalt  }
0x76: {  	_ =	shalt  }
0x77: {  	_ =	shalt  }
0x78: {  	_ =	shalt  }
0x79: {  	_ =	shalt  }
0x7a: {  	_ =	shalt  }
0x7b: {  	_ =	shalt  }
0x7c: {  	_ =	shalt  }
0x7d: {  	_ =	shalt  }
0x7e: {  	_ =	shalt  }
0x7f: {  	_ =	shalt  }
0x80: {  	_ =	shalt  }
0x81: {  	_ =	shalt  }
0x82: {  	_ =	shalt  }
0x83: {  	_ =	shalt  }
0x84: {  	_ =	shalt  }
0x85: {  	_ =	shalt  }
0x86: {  	_ =	shalt  }
0x87: {  	_ =	shalt  }
.Lfunc_end0:
.L_simem_size_0:
called_computation_lowered:
.L_overlay_start_0:
0x88: {  	s2 =	sld [smem:$0x3FD9]  }
0x89: {  	s3 =	sld [smem:$0x3FFE];
	_ =	sdelay $0x1  }
0x8a: {  	s1 =	srdreg.scid  }
0x8b: {  	s0 =	sand.u32 $0x1, s1  }
0x8c: {  	s17 =	sshll.u32 s0, $0xA;
	s2 =	sadd.s32 s3, s2  }
0x8d: {  	s2 =	sadd.s32 s2, s17  }
0x8e: {  	[smem:$0x3FC2] =	sst s2  }
0x8f: {  	_ = 	snop  }
0x90: {  	s2 =	sld [smem:$0x3FD0];
	(tm) =	ssettm $0x1  }
0x91: {  	s18 =	sld [smem:$0x3FFB];
	_ =	sdelay $0x3  }
0x92: {  	_ =	strace s18  }
0x93: {  	s3 =	sld [smem:$0x3FFC];
	_ =	sdelay $0x3  }
0x94: {  	_ =	strace s3  }
0x95: {  	s3 =	sld [smem:$0x3FFD];
	_ =	sdelay $0x3  }
0x96: {  	_ =	strace s3  }
0x97: {  	_ =	strace $0x8FFFFFFF  }
0x98: {  	s19 =	sld [smem:$0x3FDB];
	_ =	sdelay $0x1  }
0x99: {  	s4 =	simm.s32 $_scs_section_size  }
0x9a: {  	s5 =	simm.s32 $_size__tile_overlayer_lowered;
	s6 =	simm.s32 $_tile_overlayer_lowered  }
0x9b: {  	s22 =	simm.s32 $0x1BFF;
	s21 =	sshll.u32 s6, $0x1;
	s3 =	sadd.s32 s4, s19  }
0x9c: {  	s7 =	simm.s32 $0x0;
	s20 =	sshll.u32 s5, $0x1;
	s5 =	sadd.s32 s21, s3  }
0x9d: {  	[timem:s7], [sflag:s22] =	dma.local [hbm:s5], s20  }
0x9e: {  	_ =	swait.ge [sflag:s22], s20  }
0x9f: {  	s4 =	ssub.s32 $0x0, s20;
	[sflag:s22] =	ssyncset.done $0x0  }
0xa0: {  	[sflag:s22] =	ssyncadd.s32 s4;
	_ =	sdelay $0x1  }
0xa1: {  	s23 =	simm.s32 $0x1B8B  }
0xa2: {  	_ =	swait.ge [sflag:s23], $0x1  }
0xa3: {  	[sflag:s23] =	ssyncset.done $0x0  }
0xa4: {  	s25 =	simm.s32 $0x1B8E;
	s24 =	sld [smem:$0x3FFE];
	[sflag:s23] =	ssyncadd.s32 $0xFFFFFFFF  }
0xa5: {  	s26 =	simm.s32 $execute0_lowered;
	[smem:$0x3FD2] =	sst s25  }
0xa6: {  	s5 =	sshll.u32 s26, $0x1;
	_ =	strace $0x80000046;
	[dreg:$0x1] =	wrdreg $0xFFFFFFFF  }
0xa7: {  	s28 =	simm.s32 $_size_execute0_lowered;
	s3 =	sadd.s32 s3, s5;
	[dreg:$0x0] =	wrdreg $0x0  }
0xa8: {  	s5 =	sshll.u32 s28, $0x1;
	[dreg:$0x2] =	wrdreg s3  }
0xa9: {  	[dreg:$0x3] =	wrdreg s5  }
0xaa: {  	[dreg:$0x4] =	wrdreg $0xC0  }
0xab: {  	_ =	task [dreg:s7], $0x5FFFF  }
0xac: {  	[dreg:$0x1] =	wrdreg $0xFFFFFFFF  }
0xad: {  	[dreg:$0x0] =	wrdreg $0x60  }
0xae: {  	[dreg:$0x2] =	wrdreg s24  }
0xaf: {  	[dreg:$0x3] =	wrdreg s2  }
0xb0: {  	[dreg:$0x4] =	wrdreg $0x9  }
0xb1: {  	_ =	task.clear_ibuf [dreg:s7], $0x5FFFF;
	_ =	strace $0x90000046  }
0xb2: {  	s29 =	simm.s32 $0x9;
	_ =	strace $0x80000048  }
0xb3: {  	_ =	swait.ge [sflag:s29], $0x1  }
0xb4: {  	[sflag:s29] =	ssyncadd.s32 $0xFFFFFFFF  }
0xb5: {  	_ =	strace $0x90000048  }
0xb6: {  	_ =	sfence  }
0xb7: {  	s30 =	sld [smem:$0x0];
	_ =	sdelay $0x2  }
0xb8: {  	s31 =	sshll.u32 s1, $0xD;
	s1 =	sshrl.u32 s1, $0x2  }
0xb9: {  	s3 =	sand.u32 $0x4000, s31;
	s1 =	sadd.s32 s1, s30  }
0xba: {  	s0 =	sor.u32 s3, s0;
	s1 =	sshll.u32 s1, $0x11  }
0xbb: {  	s0 =	sor.u32 s1, s0  }
0xbc: {  	s0 =	sadd.s32 $0x8F2B, s0  }
0xbd: {  	[sflag:s0] =	ssyncadd.remote.s32 $0x1  }
0xbe: {  	_ =	sfence.sel $0xFFFF  }
0xbf: {  	[dreg:$0x0] =	wrdreg $0xFFFFFFFF;
	(pc) =	sbr.abs _section_cstart, $3  }
0xc0: {  	[dreg:$0x1] =	wrdreg $0xFFFFFFFF  }
0xc1: {  	_ =	task.clear_ibuf [dreg:s7], $0x2FFFF;
	_ =	strace $0x9FFFFFFF  }
0xc2: {  	(tm) =	ssettm $0x7FFFFFFF  }
0xc3: {  	_ =	shalt  }
tec
execute0_lowered:
.L_overlay_start_1:
0x0: {  	(tag) =	ssettag $0x1  }
0x1: {  	s3 =	rddreg [dreg:$0x0]  }
0x2: {  	s0 =	srdreg.scid;
	s5 =	rddreg [dreg:$0x1]  }
0x3: {  	s1 =	stileid.u32;
	s10 =	simm.s32 $0x0;
	s4 =	sand.u32 $0x1, s0  }
0x4: {  	s0 =	rddreg [dreg:$0x2];
	s8 =	smul.u32 $0x2710, s1;
	s2 =	sshll.u32 s4, $0x4  }
0x5: {  	s9 =	sshll.u32 s1, $0x7;
	s6 =	smul.u32 $0x27100, s4;
	s7 =	sor.u32 s1, s2  }
0x6: {  	s4 =	ssub.s32 $0x2, s4;
	s9 =	sand.u32 $0x380, s9;
	s7 =	sshrl.u32 s7, $0x3  }
0x7: {  	s2 =	simm.s32 $0x0;
	s31 =	sshrl.u32 s4, $0x1;
	s7 =	smul.u32 $0x14000, s7  }
0x8: {  	[smem:$0x7FF] =	sst s2;
	s6 =	sadd.s32 s8, s6;
	s4 =	ssub.s32 s4, s31  }
0x9: {  	s8 =	simm.s32 $0x80;
	_ =	strace $0x80000047;
	s7 =	sor.u32 s9, s7  }
0xa: {  	s6 =	sshrl.u32 s6, $0x3;
	s4 =	smax.u32 s4, $0x1;
	s7 =	sshrl.u32 s7, $0x3  }
0xb: {  	s6 =	sadd.s32 s6, s3;
	s9 =	simm.s32 $0x400;
	s3 =	sadd.s32 s5, s7  }
0xc: {  	v0 =	vimm.f32 $0.0e+00;
	v1 =	vimm.f32 $1.000000000e+00;
	s5 =	sadd.s32 $0x1E00, s6;
	s6 =	simm.s32 $0x2800;
	s7 =	simm.s32 $0x1  }
.LBB2_1:
0xd: {  	s11 =	simm.s32 $0x0  }
.LBB2_2:
0xe: {  	p0 =	sne.s32 s11, $0x9FC0  }
.Ltmp0:
0xf: {  	_ = 	snop;
	(pc) =	sbr.rel @p0 .LBB2_2-.Ltmp0, $3  }
0x10: {  	_ =	sdelay $0x1  }
0x11: {  	s12 =	sshra.s32 s11, $0x2  }
0x12: {  	s11 =	sadd.s32 $0x40, s11;
	[tilespmem:s12+$0x0] =	vst v0  }
0x13: {  	s11 =	simm.s32 $0x0  }
.LBB2_4:
0x14: {  	s12 =	sadd.s32 s11, s5  }
0x15: {  	[tilespmem:s6], [sflag:$0x1] =	stream.linear.gather [hbm4b:s12+s2], $0x50, $0x38;
	[tilespmem:$0x2880] =	vst v63  }
0x16: {  	_ =	swait.ge [sflag:s7], $0x50  }
0x17: {  	[sflag:s7] =	ssyncset.done $0x0  }
0x18: {  	[sflag:s7] =	ssyncadd.s32 $0xFFFFFFB0  }
0x19: {  	v2 =	vld [tilespmem:$0x2800];
	_ =	sdelay $0x7  }
0x1a: {  	[tilespmem:v2+s2+$0x0] =	vst.idx.add.f32.msk $0xffff, v1  }
0x1b: {  	v2 =	vld [tilespmem:$0x2810];
	_ =	sdelay $0x7  }
0x1c: {  	[tilespmem:v2+s2+$0x0] =	vst.idx.add.f32.msk $0xffff, v1  }
0x1d: {  	v2 =	vld [tilespmem:$0x2820];
	_ =	sdelay $0x7  }
0x1e: {  	[tilespmem:v2+s2+$0x0] =	vst.idx.add.f32.msk $0xffff, v1  }
0x1f: {  	v2 =	vld [tilespmem:$0x2830];
	_ =	sdelay $0x7  }
0x20: {  	[tilespmem:v2+s2+$0x0] =	vst.idx.add.f32.msk $0xffff, v1  }
0x21: {  	v2 =	vld [tilespmem:$0x2840];
	_ =	sdelay $0x2  }
0x22: {  	p0 =	sne.s32 s11, $0x4D8  }
.Ltmp1:
0x23: {  	_ = 	snop;
	(pc) =	sbr.rel @p0 .LBB2_4-.Ltmp1, $2  }
0x24: {  	_ =	sdelay $0x2  }
0x25: {  	s11 =	sadd.s32 $0xA, s11;
	[tilespmem:v2+s2+$0x0] =	vst.idx.add.f32.msk $0xffff, v1  }
0x26: {  	s10 =	sadd.s32 $0x1, s10  }
0x27: {  	p0 =	sne.s32 s10, s4  }
.Ltmp2:
0x28: {  	_ = 	snop;
	(pc) =	sbr.rel @p0 .LBB2_1-.Ltmp2, $4  }
0x29: {  	[hbm4b:s3+s8] =	stream.strided.scatter [tilespmem:s2], [sflag:$0x1], $0x2800, s9, s8, $0x38;
	[tilespmem:$0x2880] =	vst v63  }
0x2a: {  	_ =	swait.ge [sflag:s7], $0x2800  }
0x2b: {  	[sflag:s7] =	ssyncset.done $0x0  }
0x2c: {  	[sflag:s7] =	ssyncadd.s32 $0xFFFFD800  }
0x2d: {  	_ =	sfence.sel $0x180000  }
0x2e: {  	[bflag:$0x0] =	sbarrier.arrive $0xFFFF  }
0x2f: {  	p0 =	sne.s32 s1, $0x0;
	_ =	strace $0x90000047  }
0x30: {  	s0 =	sadd.s32 @!p0 $0x100000, s0;
	[bflag:$0x2] =	sbarrier.arrive $0xFFFF  }
0x31: {  	[sflag:s0] =	ssyncadd.tile.s32 @!p0 $0x1;
	_ =	shalt  }
.Lfunc_end2:
_tile_overlayer_lowered:
.L_overlay_start_2:
0x32: {  	(tag) =	ssettag $0x2  }
0x33: {  	s0 =	rddreg [dreg:$0x0];
	s2 =	stileid.u32  }
0x34: {  	s1 =	rddreg [dreg:$0x1];
	p0 =	sne.s32 s2, $0x0  }
0x35: {  	s3 =	rddreg [dreg:$0x2];
	[bflag:$0x3] =	sbarrier.arrive $0xFFFF;
	s2 =	simm.s32 @!p0 $0x1C01  }
0x36: {  	[timem:s3], [sflag:s2] =	dma.local @!p0 [hbm:s0], s1  }
0x37: {  	s0 =	simm.s32 @!p0 $0x1  }
0x38: {  	_ =	swait.ge @!p0 [sflag:s0], s1  }
0x39: {  	s1 =	ssub.s32 @!p0 $0x0, s1;
	[sflag:s0] =	ssyncset.done @!p0 $0x0  }
0x3a: {  	[sflag:s0] =	ssyncadd.s32 @!p0 s1  }
0x3b: {  	[bflag:$0x3] =	sbarrier.arrive $0xFFFF  }
0x3c: {  	_ =	shalt  }

</sc_bundles>
